<compile_context>
chip_gen: v7x
topology: tpu7x:2x2x1
jax: 0.10.2.dev20260603
libtpu: 0.0.44.dev20260713+nightly
codegen_flags: <defaults>
</compile_context>

<pallas_src>
import jax
import jax.numpy as jnp
from jax import lax
from jax.experimental import pallas as pl
from jax.experimental.pallas import tpu as pltpu
from jax.experimental.pallas import tpu_sc as plsc

BATCH = 16384
EMBED_DIM = 32
NUM_TABLES = 4
NUM_USERS1 = 100001

_info = plsc.get_sparse_core_info()
_NC, _NS = _info.num_cores, _info.num_subcores
_NW = _NC * _NS
_BPW = BATCH // _NW
_L = 16
_NG = _BPW // _L


def _gather_concat_kernel(rid_hbm, reg_hbm, ovr_hbm, asin_hbm,
                          uflat_hbm, r_hbm, o_hbm, p_hbm, out_hbm,
                          idx_v, eidx_v, urows_v, rows_v, r_sh, o_sh, p_sh,
                          isem, usem, ssem, wsem):
    sid = lax.axis_index("s")
    wid = sid * _NC + lax.axis_index("c")
    base = wid * _BPW
    idx_hbms = (rid_hbm, reg_hbm, ovr_hbm, asin_hbm)
    icopies = [pltpu.async_copy(idx_hbms[t].at[pl.ds(base, _BPW)],
                                idx_v.at[t], isem)
               for t in range(NUM_TABLES)]
    icopies[0].wait()

    lanes = lax.iota(jnp.int32, _L)

    def group_body(g, carry):
        uvec = idx_v[0, pl.ds(g * _L, _L)]
        gvec = jnp.full((_L,), g, jnp.int32)
        dvec = lanes * EMBED_DIM
        for c in range(EMBED_DIM):
            plsc.store_scatter(eidx_v, [gvec, dvec + c],
                               uvec + c * NUM_USERS1)
        pltpu.async_copy(uflat_hbm.at[eidx_v.at[g]],
                         urows_v.at[pl.ds(g * _BPW, _BPW)], usem)
        return carry

    lax.fori_loop(0, _NG, group_body, 0)
    udrain = pltpu.make_async_copy(uflat_hbm.at[pl.ds(0, _BPW * EMBED_DIM)],
                                   urows_v, usem)
    @pl.when(sid == 0)
    def _stage():
        pltpu.sync_copy(r_hbm, r_sh)
        pltpu.sync_copy(o_hbm, o_sh)
        pltpu.sync_copy(p_hbm, p_sh)
    plsc.subcore_barrier()
    tables_sh = (r_sh, o_sh, p_sh)
    copies = []
    for t in range(1, NUM_TABLES):
        icopies[t].wait()
        copies.append(pltpu.async_copy(
            tables_sh[t - 1].at[idx_v.at[t]], rows_v.at[t], ssem))
    udrain.wait()

    def repack_body(q, carry):
        b0 = q * 4
        for j in range(4):
            b = b0 + j
            rows_v[0, b, pl.ds(0, _L)] = urows_v[pl.ds(b * EMBED_DIM, _L)]
            rows_v[0, b, pl.ds(_L, _L)] = (
                urows_v[pl.ds(b * EMBED_DIM + _L, _L)])
        return carry

    lax.fori_loop(0, _BPW // 4, repack_body, 0)
    for c in copies:
        c.wait()
    wcopies = []
    for t in range(NUM_TABLES):
        wcopies.append(pltpu.async_copy(
            rows_v.at[t],
            out_hbm.at[pl.ds(base, _BPW), pl.ds(t * EMBED_DIM, EMBED_DIM)],
            wsem))
    for c in wcopies:
        c.wait()


@jax.jit
def _run(rid, reg, ovr, asin, uflat, region_table, rating_table,
         product_table):
    mesh = plsc.VectorSubcoreMesh(core_axis_name="c", subcore_axis_name="s")
    return pl.kernel(
        _gather_concat_kernel,
        out_type=jax.ShapeDtypeStruct((BATCH, NUM_TABLES * EMBED_DIM),
                                      jnp.float32),
        mesh=mesh,
        scratch_types=[
            pltpu.VMEM((NUM_TABLES, _BPW), jnp.int32),
            pltpu.VMEM((_NG, _BPW), jnp.int32),
            pltpu.VMEM((_BPW * EMBED_DIM,), jnp.float32),
            pltpu.VMEM((NUM_TABLES, _BPW, EMBED_DIM), jnp.float32),
            pltpu.VMEM_SHARED(region_table.shape, jnp.float32),
            pltpu.VMEM_SHARED(rating_table.shape, jnp.float32),
            pltpu.VMEM_SHARED(product_table.shape, jnp.float32),
            pltpu.SemaphoreType.DMA,
            pltpu.SemaphoreType.DMA,
            pltpu.SemaphoreType.DMA,
            pltpu.SemaphoreType.DMA,
        ],
        compiler_params=pltpu.CompilerParams(use_tc_tiling_on_sc=False,
                                             needs_layout_passes=False),
    )(rid, reg, ovr, asin, uflat, region_table, rating_table,
      product_table)


def kernel(reviewerID, region, overall, asin, user_table, region_table,
           rating_table, product_table):
    uflat = jnp.reshape(user_table.T, (-1,))
    return _run(reviewerID.astype(jnp.int32), region.astype(jnp.int32),
                overall.astype(jnp.int32), asin.astype(jnp.int32),
                uflat, region_table, rating_table, product_table)

# --- scband reference (transcript-rebuilt; emitter-appended) ---
"""Pipeline reference for scband-user-model-15934328668562 (READ-ONLY COPY).

The authoritative reference and input builder live on the scoring server;
editing this copy changes nothing except your own understanding.
"""

import jax, jax.numpy as jnp
import numpy as np

NUM_USERS = 100000
NUM_REGIONS = 64
NUM_RATINGS = 5
EMBED_DIM = 32
BATCH = 16384

def setup_inputs(seed: int = 0) -> dict:
    key = jax.random.key(seed)
    k1, k2, k3, k4, k5, k6, k7, k8 = jax.random.split(key, 8)
    reviewerID = jax.random.randint(k1, (BATCH,), 0, NUM_USERS + 1, dtype=jnp.int64 if jax.config.jax_enable_x64 else jnp.int32)
    region = jax.random.randint(k2, (BATCH,), 0, NUM_REGIONS + 1, dtype=jnp.int32)
    overall = jax.random.randint(k3, (BATCH,), 0, NUM_RATINGS + 1, dtype=jnp.int32)
    # NOTE: original module (bug preserved) sizes the product table by len(unique_ratings)+1,
    # so valid product indices are < NUM_RATINGS + 1.
    asin = jax.random.randint(k4, (BATCH,), 0, NUM_RATINGS + 1, dtype=jnp.int32)
    user_table = jax.random.normal(k5, (NUM_USERS + 1, EMBED_DIM), dtype=jnp.float32) * 0.05
    region_table = jax.random.normal(k6, (NUM_REGIONS + 1, EMBED_DIM), dtype=jnp.float32) * 0.05
    rating_table = jax.random.normal(k7, (NUM_RATINGS + 1, EMBED_DIM), dtype=jnp.float32) * 0.05
    product_table = jax.random.normal(k8, (NUM_RATINGS + 1, EMBED_DIM), dtype=jnp.float32) * 0.05
    return {
        'reviewerID': reviewerID,
        'region': region,
        'overall': overall,
        'asin': asin,
        'user_table': user_table,
        'region_table': region_table,
        'rating_table': rating_table,
        'product_table': product_table,
    }

def reference(reviewerID, region, overall, asin, user_table, region_table, rating_table, product_table):
    user_id_embed = jnp.take(user_table, reviewerID, axis=0)
    region_embed = jnp.take(region_table, region, axis=0)
    rating_embed = jnp.take(rating_table, overall, axis=0)
    product_id_embed = jnp.take(product_table, asin, axis=0)
    concatenated = jnp.concatenate([user_id_embed, region_embed, rating_embed, product_id_embed], axis=1)
    return concatenated

if __name__ == "__main__":
    import jax
    _d = setup_inputs()
    print(jax.jit(kernel)(*tuple(_d.values())))

</pallas_src>

<mosaic_0001>
#map = affine_map<(d0, d1) -> (0)>
#map1 = affine_map<(d0, d1) -> (0, 0)>
module attributes {stable_mosaic.version = 14 : i64} {
  func.func @_gather_concat_kernel(%arg0: i32, %arg1: i32, %arg2: memref<16384xi32, #tpu.memory_space<hbm>>, %arg3: memref<16384xi32, #tpu.memory_space<hbm>>, %arg4: memref<16384xi32, #tpu.memory_space<hbm>>, %arg5: memref<16384xi32, #tpu.memory_space<hbm>>, %arg6: memref<3200032xf32, #tpu.memory_space<hbm>>, %arg7: memref<65x32xf32, #tpu.memory_space<hbm>>, %arg8: memref<6x32xf32, #tpu.memory_space<hbm>>, %arg9: memref<6x32xf32, #tpu.memory_space<hbm>>, %arg10: memref<16384x128xf32, #tpu.memory_space<hbm>>, %arg11: memref<4x512xi32, #tpu.memory_space<vmem>>, %arg12: memref<32x512xi32, #tpu.memory_space<vmem>>, %arg13: memref<16384xf32, #tpu.memory_space<vmem>>, %arg14: memref<4x512x32xf32, #tpu.memory_space<vmem>>, %arg15: memref<65x32xf32, #tpu.memory_space<vmem_shared>>, %arg16: memref<6x32xf32, #tpu.memory_space<vmem_shared>>, %arg17: memref<6x32xf32, #tpu.memory_space<vmem_shared>>, %arg18: memref<!tpu.dma_semaphore, #tpu.memory_space<semaphore_mem>>, %arg19: memref<!tpu.dma_semaphore, #tpu.memory_space<semaphore_mem>>, %arg20: memref<!tpu.dma_semaphore, #tpu.memory_space<semaphore_mem>>, %arg21: memref<!tpu.dma_semaphore, #tpu.memory_space<semaphore_mem>>) attributes {dimension_semantics = [#tpu.dimension_semantics<core_parallel>, #tpu.dimension_semantics<subcore_parallel>], iteration_bounds = array<i64: 2, 16>, scalar_prefetch = 0 : i64, scratch_operands = 11 : i64, tpu.core_type = #tpu.core_type<sc_vector_subcore>, window_params = [{transform_indices = #map}, {transform_indices = #map}, {transform_indices = #map}, {transform_indices = #map}, {transform_indices = #map}, {transform_indices = #map1}, {transform_indices = #map1}, {transform_indices = #map1}, {transform_indices = #map1}]} {
    %mul3A = arith.constant 2 : i32
    %mul3A_0 = arith.muli %arg1, %mul3A : i32
    %add3A = arith.addi %mul3A_0, %arg0 : i32
    %mul3A_1 = arith.constant 512 : i32
    %mul3A_2 = arith.muli %add3A, %mul3A_1 : i32
    %dma_start3A = arith.constant 0 : i32
    %dma_start3A_3 = arith.constant 0 : i32
    %dma_start3A_4 = tpu.memref_slice %arg11[%dma_start3A, %dma_start3A_3] : memref<4x512xi32, #tpu.memory_space<vmem>> -> memref<1x512xi32, #tpu.memory_space<vmem>>
    %dma_start3A_5 = tpu.memref_squeeze %dma_start3A_4 : memref<1x512xi32, #tpu.memory_space<vmem>> -> memref<512xi32, #tpu.memory_space<vmem>>
    %dma_start3A_6 = tpu.memref_slice %arg2[%mul3A_2] : memref<16384xi32, #tpu.memory_space<hbm>> -> memref<512xi32, #tpu.memory_space<hbm>>
    %dma_start3A_7 = arith.constant 0 : i32
    %dma_start3A_8 = tpu.memref_slice %arg11[%dma_start3A, %dma_start3A_7] : memref<4x512xi32, #tpu.memory_space<vmem>> -> memref<1x512xi32, #tpu.memory_space<vmem>>
    %dma_start3A_9 = tpu.memref_squeeze %dma_start3A_8 : memref<1x512xi32, #tpu.memory_space<vmem>> -> memref<512xi32, #tpu.memory_space<vmem>>
    %dma_start3A_10 = tpu.memref_slice %arg2[%mul3A_2] : memref<16384xi32, #tpu.memory_space<hbm>> -> memref<512xi32, #tpu.memory_space<hbm>>
    tpu.enqueue_dma source(%dma_start3A_10 : memref<512xi32, #tpu.memory_space<hbm>>) target(%dma_start3A_9 : memref<512xi32, #tpu.memory_space<vmem>>) target_semaphore(%arg18 : memref<!tpu.dma_semaphore, #tpu.memory_space<semaphore_mem>>)
    %dma_start3A_11 = arith.constant 1 : i32
    %dma_start3A_12 = arith.constant 0 : i32
    %dma_start3A_13 = tpu.memref_slice %arg11[%dma_start3A_11, %dma_start3A_12] : memref<4x512xi32, #tpu.memory_space<vmem>> -> memref<1x512xi32, #tpu.memory_space<vmem>>
    %dma_start3A_14 = tpu.memref_squeeze %dma_start3A_13 : memref<1x512xi32, #tpu.memory_space<vmem>> -> memref<512xi32, #tpu.memory_space<vmem>>
    %dma_start3A_15 = tpu.memref_slice %arg3[%mul3A_2] : memref<16384xi32, #tpu.memory_space<hbm>> -> memref<512xi32, #tpu.memory_space<hbm>>
    %dma_start3A_16 = arith.constant 0 : i32
    %dma_start3A_17 = tpu.memref_slice %arg11[%dma_start3A_11, %dma_start3A_16] : memref<4x512xi32, #tpu.memory_space<vmem>> -> memref<1x512xi32, #tpu.memory_space<vmem>>
    %dma_start3A_18 = tpu.memref_squeeze %dma_start3A_17 : memref<1x512xi32, #tpu.memory_space<vmem>> -> memref<512xi32, #tpu.memory_space<vmem>>
    %dma_start3A_19 = tpu.memref_slice %arg3[%mul3A_2] : memref<16384xi32, #tpu.memory_space<hbm>> -> memref<512xi32, #tpu.memory_space<hbm>>
    tpu.enqueue_dma source(%dma_start3A_19 : memref<512xi32, #tpu.memory_space<hbm>>) target(%dma_start3A_18 : memref<512xi32, #tpu.memory_space<vmem>>) target_semaphore(%arg18 : memref<!tpu.dma_semaphore, #tpu.memory_space<semaphore_mem>>)
    %dma_start3A_20 = arith.constant 2 : i32
    %dma_start3A_21 = arith.constant 0 : i32
    %dma_start3A_22 = tpu.memref_slice %arg11[%dma_start3A_20, %dma_start3A_21] : memref<4x512xi32, #tpu.memory_space<vmem>> -> memref<1x512xi32, #tpu.memory_space<vmem>>
    %dma_start3A_23 = tpu.memref_squeeze %dma_start3A_22 : memref<1x512xi32, #tpu.memory_space<vmem>> -> memref<512xi32, #tpu.memory_space<vmem>>
    %dma_start3A_24 = tpu.memref_slice %arg4[%mul3A_2] : memref<16384xi32, #tpu.memory_space<hbm>> -> memref<512xi32, #tpu.memory_space<hbm>>
    %dma_start3A_25 = arith.constant 0 : i32
    %dma_start3A_26 = tpu.memref_slice %arg11[%dma_start3A_20, %dma_start3A_25] : memref<4x512xi32, #tpu.memory_space<vmem>> -> memref<1x512xi32, #tpu.memory_space<vmem>>
    %dma_start3A_27 = tpu.memref_squeeze %dma_start3A_26 : memref<1x512xi32, #tpu.memory_space<vmem>> -> memref<512xi32, #tpu.memory_space<vmem>>
    %dma_start3A_28 = tpu.memref_slice %arg4[%mul3A_2] : memref<16384xi32, #tpu.memory_space<hbm>> -> memref<512xi32, #tpu.memory_space<hbm>>
    tpu.enqueue_dma source(%dma_start3A_28 : memref<512xi32, #tpu.memory_space<hbm>>) target(%dma_start3A_27 : memref<512xi32, #tpu.memory_space<vmem>>) target_semaphore(%arg18 : memref<!tpu.dma_semaphore, #tpu.memory_space<semaphore_mem>>)
    %dma_start3A_29 = arith.constant 3 : i32
    %dma_start3A_30 = arith.constant 0 : i32
    %dma_start3A_31 = tpu.memref_slice %arg11[%dma_start3A_29, %dma_start3A_30] : memref<4x512xi32, #tpu.memory_space<vmem>> -> memref<1x512xi32, #tpu.memory_space<vmem>>
    %dma_start3A_32 = tpu.memref_squeeze %dma_start3A_31 : memref<1x512xi32, #tpu.memory_space<vmem>> -> memref<512xi32, #tpu.memory_space<vmem>>
    %dma_start3A_33 = tpu.memref_slice %arg5[%mul3A_2] : memref<16384xi32, #tpu.memory_space<hbm>> -> memref<512xi32, #tpu.memory_space<hbm>>
    %dma_start3A_34 = arith.constant 0 : i32
    %dma_start3A_35 = tpu.memref_slice %arg11[%dma_start3A_29, %dma_start3A_34] : memref<4x512xi32, #tpu.memory_space<vmem>> -> memref<1x512xi32, #tpu.memory_space<vmem>>
    %dma_start3A_36 = tpu.memref_squeeze %dma_start3A_35 : memref<1x512xi32, #tpu.memory_space<vmem>> -> memref<512xi32, #tpu.memory_space<vmem>>
    %dma_start3A_37 = tpu.memref_slice %arg5[%mul3A_2] : memref<16384xi32, #tpu.memory_space<hbm>> -> memref<512xi32, #tpu.memory_space<hbm>>
    tpu.enqueue_dma source(%dma_start3A_37 : memref<512xi32, #tpu.memory_space<hbm>>) target(%dma_start3A_36 : memref<512xi32, #tpu.memory_space<vmem>>) target_semaphore(%arg18 : memref<!tpu.dma_semaphore, #tpu.memory_space<semaphore_mem>>)
    %dma_wait3A = arith.constant 0 : i32
    %dma_wait3A_38 = arith.constant 0 : i32
    %dma_wait3A_39 = tpu.memref_slice %arg11[%dma_wait3A, %dma_wait3A_38] : memref<4x512xi32, #tpu.memory_space<vmem>> -> memref<1x512xi32, #tpu.memory_space<vmem>>
    %dma_wait3A_40 = tpu.memref_squeeze %dma_wait3A_39 : memref<1x512xi32, #tpu.memory_space<vmem>> -> memref<512xi32, #tpu.memory_space<vmem>>
    %dma_wait3A_41 = tpu.memref_slice %arg2[%mul3A_2] : memref<16384xi32, #tpu.memory_space<hbm>> -> memref<512xi32, #tpu.memory_space<hbm>>
    %dma_wait3A_42 = arith.constant 0 : i32
    %dma_wait3A_43 = tpu.memref_slice %arg11[%dma_wait3A, %dma_wait3A_42] : memref<4x512xi32, #tpu.memory_space<vmem>> -> memref<1x512xi32, #tpu.memory_space<vmem>>
    %dma_wait3A_44 = tpu.memref_squeeze %dma_wait3A_43 : memref<1x512xi32, #tpu.memory_space<vmem>> -> memref<512xi32, #tpu.memory_space<vmem>>
    %dma_wait3A_45 = tpu.memref_slice %arg2[%mul3A_2] : memref<16384xi32, #tpu.memory_space<hbm>> -> memref<512xi32, #tpu.memory_space<hbm>>
    tpu.wait_dma2 semaphore(%arg18 : memref<!tpu.dma_semaphore, #tpu.memory_space<semaphore_mem>>) src(%dma_wait3A_45 : memref<512xi32, #tpu.memory_space<hbm>>) dst(%dma_wait3A_44 : memref<512xi32, #tpu.memory_space<vmem>>)
    %iota3A = tpu.iota {dimensions = array<i32: 0>} : vector<16xi32>
    %scan3A = arith.constant 0 : i32
    %scan3A_46 = arith.constant 0 : i32
    %scan3A_47 = arith.constant 32 : i32
    %scan3A_48 = arith.addi %scan3A_46, %scan3A_47 : i32
    %scan3A_49 = arith.constant 1 : i32
    scf.for %scan3A_266 = %scan3A_46 to %scan3A_48 step %scan3A_49  : i32 {
      %mul3A_267 = arith.constant 16 : i32
      %mul3A_268 = arith.muli %scan3A_266, %mul3A_267 : i32
      %get3A = arith.constant 0 : i32
      %get3A_269 = arith.index_cast %get3A : i32 to index
      %get3A_270 = arith.index_cast %mul3A_268 : i32 to index
      %get3A_271 = tpu.vector_load %arg11[%get3A_269, %get3A_270] {strides = array<i32>} : memref<4x512xi32, #tpu.memory_space<vmem>>, vector<16xi32>,
      %broadcast_in_dim3A = vector.broadcast %scan3A_266 : i32 to vector<16xi32>
      %mul3A_272 = arith.constant 32 : i32
      %mul3A_273 = vector.broadcast %mul3A_272 : i32 to vector<16xi32>
      %mul3A_274 = arith.muli %iota3A, %mul3A_273 : vector<16xi32>
      %add3A_275 = arith.constant 0 : i32
      %add3A_276 = vector.broadcast %add3A_275 : i32 to vector<16xi32>
      %add3A_277 = arith.addi %mul3A_274, %add3A_276 : vector<16xi32>
      %add3A_278 = arith.constant 0 : i32
      %add3A_279 = vector.broadcast %add3A_278 : i32 to vector<16xi32>
      %add3A_280 = arith.addi %get3A_271, %add3A_279 : vector<16xi32>
      tpu.vector_store_idx %arg12[%broadcast_in_dim3A, %add3A_277], %add3A_280 : memref<32x512xi32, #tpu.memory_space<vmem>>[vector<16xi32>, vector<16xi32>], vector<16xi32>,
      %add3A_281 = arith.constant 1 : i32
      %add3A_282 = vector.broadcast %add3A_281 : i32 to vector<16xi32>
      %add3A_283 = arith.addi %mul3A_274, %add3A_282 : vector<16xi32>
      %add3A_284 = arith.constant 100001 : i32
      %add3A_285 = vector.broadcast %add3A_284 : i32 to vector<16xi32>
      %add3A_286 = arith.addi %get3A_271, %add3A_285 : vector<16xi32>
      tpu.vector_store_idx %arg12[%broadcast_in_dim3A, %add3A_283], %add3A_286 : memref<32x512xi32, #tpu.memory_space<vmem>>[vector<16xi32>, vector<16xi32>], vector<16xi32>,
      %add3A_287 = arith.constant 2 : i32
      %add3A_288 = vector.broadcast %add3A_287 : i32 to vector<16xi32>
      %add3A_289 = arith.addi %mul3A_274, %add3A_288 : vector<16xi32>
      %add3A_290 = arith.constant 200002 : i32
      %add3A_291 = vector.broadcast %add3A_290 : i32 to vector<16xi32>
      %add3A_292 = arith.addi %get3A_271, %add3A_291 : vector<16xi32>
      tpu.vector_store_idx %arg12[%broadcast_in_dim3A, %add3A_289], %add3A_292 : memref<32x512xi32, #tpu.memory_space<vmem>>[vector<16xi32>, vector<16xi32>], vector<16xi32>,
      %add3A_293 = arith.constant 3 : i32
      %add3A_294 = vector.broadcast %add3A_293 : i32 to vector<16xi32>
      %add3A_295 = arith.addi %mul3A_274, %add3A_294 : vector<16xi32>
      %add3A_296 = arith.constant 300003 : i32
      %add3A_297 = vector.broadcast %add3A_296 : i32 to vector<16xi32>
      %add3A_298 = arith.addi %get3A_271, %add3A_297 : vector<16xi32>
      tpu.vector_store_idx %arg12[%broadcast_in_dim3A, %add3A_295], %add3A_298 : memref<32x512xi32, #tpu.memory_space<vmem>>[vector<16xi32>, vector<16xi32>], vector<16xi32>,
      %add3A_299 = arith.constant 4 : i32
      %add3A_300 = vector.broadcast %add3A_299 : i32 to vector<16xi32>
      %add3A_301 = arith.addi %mul3A_274, %add3A_300 : vector<16xi32>
      %add3A_302 = arith.constant 400004 : i32
      %add3A_303 = vector.broadcast %add3A_302 : i32 to vector<16xi32>
      %add3A_304 = arith.addi %get3A_271, %add3A_303 : vector<16xi32>
      tpu.vector_store_idx %arg12[%broadcast_in_dim3A, %add3A_301], %add3A_304 : memref<32x512xi32, #tpu.memory_space<vmem>>[vector<16xi32>, vector<16xi32>], vector<16xi32>,
      %add3A_305 = arith.constant 5 : i32
      %add3A_306 = vector.broadcast %add3A_305 : i32 to vector<16xi32>
      %add3A_307 = arith.addi %mul3A_274, %add3A_306 : vector<16xi32>
      %add3A_308 = arith.constant 500005 : i32
      %add3A_309 = vector.broadcast %add3A_308 : i32 to vector<16xi32>
      %add3A_310 = arith.addi %get3A_271, %add3A_309 : vector<16xi32>
      tpu.vector_store_idx %arg12[%broadcast_in_dim3A, %add3A_307], %add3A_310 : memref<32x512xi32, #tpu.memory_space<vmem>>[vector<16xi32>, vector<16xi32>], vector<16xi32>,
      %add3A_311 = arith.constant 6 : i32
      %add3A_312 = vector.broadcast %add3A_311 : i32 to vector<16xi32>
      %add3A_313 = arith.addi %mul3A_274, %add3A_312 : vector<16xi32>
      %add3A_314 = arith.constant 600006 : i32
      %add3A_315 = vector.broadcast %add3A_314 : i32 to vector<16xi32>
      %add3A_316 = arith.addi %get3A_271, %add3A_315 : vector<16xi32>
      tpu.vector_store_idx %arg12[%broadcast_in_dim3A, %add3A_313], %add3A_316 : memref<32x512xi32, #tpu.memory_space<vmem>>[vector<16xi32>, vector<16xi32>], vector<16xi32>,
      %add3A_317 = arith.constant 7 : i32
      %add3A_318 = vector.broadcast %add3A_317 : i32 to vector<16xi32>
      %add3A_319 = arith.addi %mul3A_274, %add3A_318 : vector<16xi32>
      %add3A_320 = arith.constant 700007 : i32
      %add3A_321 = vector.broadcast %add3A_320 : i32 to vector<16xi32>
      %add3A_322 = arith.addi %get3A_271, %add3A_321 : vector<16xi32>
      tpu.vector_store_idx %arg12[%broadcast_in_dim3A, %add3A_319], %add3A_322 : memref<32x512xi32, #tpu.memory_space<vmem>>[vector<16xi32>, vector<16xi32>], vector<16xi32>,
      %add3A_323 = arith.constant 8 : i32
      %add3A_324 = vector.broadcast %add3A_323 : i32 to vector<16xi32>
      %add3A_325 = arith.addi %mul3A_274, %add3A_324 : vector<16xi32>
      %add3A_326 = arith.constant 800008 : i32
      %add3A_327 = vector.broadcast %add3A_326 : i32 to vector<16xi32>
      %add3A_328 = arith.addi %get3A_271, %add3A_327 : vector<16xi32>
      tpu.vector_store_idx %arg12[%broadcast_in_dim3A, %add3A_325], %add3A_328 : memref<32x512xi32, #tpu.memory_space<vmem>>[vector<16xi32>, vector<16xi32>], vector<16xi32>,
      %add3A_329 = arith.constant 9 : i32
      %add3A_330 = vector.broadcast %add3A_329 : i32 to vector<16xi32>
      %add3A_331 = arith.addi %mul3A_274, %add3A_330 : vector<16xi32>
      %add3A_332 = arith.constant 900009 : i32
      %add3A_333 = vector.broadcast %add3A_332 : i32 to vector<16xi32>
      %add3A_334 = arith.addi %get3A_271, %add3A_333 : vector<16xi32>
      tpu.vector_store_idx %arg12[%broadcast_in_dim3A, %add3A_331], %add3A_334 : memref<32x512xi32, #tpu.memory_space<vmem>>[vector<16xi32>, vector<16xi32>], vector<16xi32>,
      %add3A_335 = arith.constant 10 : i32
      %add3A_336 = vector.broadcast %add3A_335 : i32 to vector<16xi32>
      %add3A_337 = arith.addi %mul3A_274, %add3A_336 : vector<16xi32>
      %add3A_338 = arith.constant 1000010 : i32
      %add3A_339 = vector.broadcast %add3A_338 : i32 to vector<16xi32>
      %add3A_340 = arith.addi %get3A_271, %add3A_339 : vector<16xi32>
      tpu.vector_store_idx %arg12[%broadcast_in_dim3A, %add3A_337], %add3A_340 : memref<32x512xi32, #tpu.memory_space<vmem>>[vector<16xi32>, vector<16xi32>], vector<16xi32>,
      %add3A_341 = arith.constant 11 : i32
      %add3A_342 = vector.broadcast %add3A_341 : i32 to vector<16xi32>
      %add3A_343 = arith.addi %mul3A_274, %add3A_342 : vector<16xi32>
      %add3A_344 = arith.constant 1100011 : i32
      %add3A_345 = vector.broadcast %add3A_344 : i32 to vector<16xi32>
      %add3A_346 = arith.addi %get3A_271, %add3A_345 : vector<16xi32>
      tpu.vector_store_idx %arg12[%broadcast_in_dim3A, %add3A_343], %add3A_346 : memref<32x512xi32, #tpu.memory_space<vmem>>[vector<16xi32>, vector<16xi32>], vector<16xi32>,
      %add3A_347 = arith.constant 12 : i32
      %add3A_348 = vector.broadcast %add3A_347 : i32 to vector<16xi32>
      %add3A_349 = arith.addi %mul3A_274, %add3A_348 : vector<16xi32>
      %add3A_350 = arith.constant 1200012 : i32
      %add3A_351 = vector.broadcast %add3A_350 : i32 to vector<16xi32>
      %add3A_352 = arith.addi %get3A_271, %add3A_351 : vector<16xi32>
      tpu.vector_store_idx %arg12[%broadcast_in_dim3A, %add3A_349], %add3A_352 : memref<32x512xi32, #tpu.memory_space<vmem>>[vector<16xi32>, vector<16xi32>], vector<16xi32>,
      %add3A_353 = arith.constant 13 : i32
      %add3A_354 = vector.broadcast %add3A_353 : i32 to vector<16xi32>
      %add3A_355 = arith.addi %mul3A_274, %add3A_354 : vector<16xi32>
      %add3A_356 = arith.constant 1300013 : i32
      %add3A_357 = vector.broadcast %add3A_356 : i32 to vector<16xi32>
      %add3A_358 = arith.addi %get3A_271, %add3A_357 : vector<16xi32>
      tpu.vector_store_idx %arg12[%broadcast_in_dim3A, %add3A_355], %add3A_358 : memref<32x512xi32, #tpu.memory_space<vmem>>[vector<16xi32>, vector<16xi32>], vector<16xi32>,
      %add3A_359 = arith.constant 14 : i32
      %add3A_360 = vector.broadcast %add3A_359 : i32 to vector<16xi32>
      %add3A_361 = arith.addi %mul3A_274, %add3A_360 : vector<16xi32>
      %add3A_362 = arith.constant 1400014 : i32
      %add3A_363 = vector.broadcast %add3A_362 : i32 to vector<16xi32>
      %add3A_364 = arith.addi %get3A_271, %add3A_363 : vector<16xi32>
      tpu.vector_store_idx %arg12[%broadcast_in_dim3A, %add3A_361], %add3A_364 : memref<32x512xi32, #tpu.memory_space<vmem>>[vector<16xi32>, vector<16xi32>], vector<16xi32>,
      %add3A_365 = arith.constant 15 : i32
      %add3A_366 = vector.broadcast %add3A_365 : i32 to vector<16xi32>
      %add3A_367 = arith.addi %mul3A_274, %add3A_366 : vector<16xi32>
      %add3A_368 = arith.constant 1500015 : i32
      %add3A_369 = vector.broadcast %add3A_368 : i32 to vector<16xi32>
      %add3A_370 = arith.addi %get3A_271, %add3A_369 : vector<16xi32>
      tpu.vector_store_idx %arg12[%broadcast_in_dim3A, %add3A_367], %add3A_370 : memref<32x512xi32, #tpu.memory_space<vmem>>[vector<16xi32>, vector<16xi32>], vector<16xi32>,
      %add3A_371 = arith.constant 16 : i32
      %add3A_372 = vector.broadcast %add3A_371 : i32 to vector<16xi32>
      %add3A_373 = arith.addi %mul3A_274, %add3A_372 : vector<16xi32>
      %add3A_374 = arith.constant 1600016 : i32
      %add3A_375 = vector.broadcast %add3A_374 : i32 to vector<16xi32>
      %add3A_376 = arith.addi %get3A_271, %add3A_375 : vector<16xi32>
      tpu.vector_store_idx %arg12[%broadcast_in_dim3A, %add3A_373], %add3A_376 : memref<32x512xi32, #tpu.memory_space<vmem>>[vector<16xi32>, vector<16xi32>], vector<16xi32>,
      %add3A_377 = arith.constant 17 : i32
      %add3A_378 = vector.broadcast %add3A_377 : i32 to vector<16xi32>
      %add3A_379 = arith.addi %mul3A_274, %add3A_378 : vector<16xi32>
      %add3A_380 = arith.constant 1700017 : i32
      %add3A_381 = vector.broadcast %add3A_380 : i32 to vector<16xi32>
      %add3A_382 = arith.addi %get3A_271, %add3A_381 : vector<16xi32>
      tpu.vector_store_idx %arg12[%broadcast_in_dim3A, %add3A_379], %add3A_382 : memref<32x512xi32, #tpu.memory_space<vmem>>[vector<16xi32>, vector<16xi32>], vector<16xi32>,
      %add3A_383 = arith.constant 18 : i32
      %add3A_384 = vector.broadcast %add3A_383 : i32 to vector<16xi32>
      %add3A_385 = arith.addi %mul3A_274, %add3A_384 : vector<16xi32>
      %add3A_386 = arith.constant 1800018 : i32
      %add3A_387 = vector.broadcast %add3A_386 : i32 to vector<16xi32>
      %add3A_388 = arith.addi %get3A_271, %add3A_387 : vector<16xi32>
      tpu.vector_store_idx %arg12[%broadcast_in_dim3A, %add3A_385], %add3A_388 : memref<32x512xi32, #tpu.memory_space<vmem>>[vector<16xi32>, vector<16xi32>], vector<16xi32>,
      %add3A_389 = arith.constant 19 : i32
      %add3A_390 = vector.broadcast %add3A_389 : i32 to vector<16xi32>
      %add3A_391 = arith.addi %mul3A_274, %add3A_390 : vector<16xi32>
      %add3A_392 = arith.constant 1900019 : i32
      %add3A_393 = vector.broadcast %add3A_392 : i32 to vector<16xi32>
      %add3A_394 = arith.addi %get3A_271, %add3A_393 : vector<16xi32>
      tpu.vector_store_idx %arg12[%broadcast_in_dim3A, %add3A_391], %add3A_394 : memref<32x512xi32, #tpu.memory_space<vmem>>[vector<16xi32>, vector<16xi32>], vector<16xi32>,
      %add3A_395 = arith.constant 20 : i32
      %add3A_396 = vector.broadcast %add3A_395 : i32 to vector<16xi32>
      %add3A_397 = arith.addi %mul3A_274, %add3A_396 : vector<16xi32>
      %add3A_398 = arith.constant 2000020 : i32
      %add3A_399 = vector.broadcast %add3A_398 : i32 to vector<16xi32>
      %add3A_400 = arith.addi %get3A_271, %add3A_399 : vector<16xi32>
      tpu.vector_store_idx %arg12[%broadcast_in_dim3A, %add3A_397], %add3A_400 : memref<32x512xi32, #tpu.memory_space<vmem>>[vector<16xi32>, vector<16xi32>], vector<16xi32>,
      %add3A_401 = arith.constant 21 : i32
      %add3A_402 = vector.broadcast %add3A_401 : i32 to vector<16xi32>
      %add3A_403 = arith.addi %mul3A_274, %add3A_402 : vector<16xi32>
      %add3A_404 = arith.constant 2100021 : i32
      %add3A_405 = vector.broadcast %add3A_404 : i32 to vector<16xi32>
      %add3A_406 = arith.addi %get3A_271, %add3A_405 : vector<16xi32>
      tpu.vector_store_idx %arg12[%broadcast_in_dim3A, %add3A_403], %add3A_406 : memref<32x512xi32, #tpu.memory_space<vmem>>[vector<16xi32>, vector<16xi32>], vector<16xi32>,
      %add3A_407 = arith.constant 22 : i32
      %add3A_408 = vector.broadcast %add3A_407 : i32 to vector<16xi32>
      %add3A_409 = arith.addi %mul3A_274, %add3A_408 : vector<16xi32>
      %add3A_410 = arith.constant 2200022 : i32
      %add3A_411 = vector.broadcast %add3A_410 : i32 to vector<16xi32>
      %add3A_412 = arith.addi %get3A_271, %add3A_411 : vector<16xi32>
      tpu.vector_store_idx %arg12[%broadcast_in_dim3A, %add3A_409], %add3A_412 : memref<32x512xi32, #tpu.memory_space<vmem>>[vector<16xi32>, vector<16xi32>], vector<16xi32>,
      %add3A_413 = arith.constant 23 : i32
      %add3A_414 = vector.broadcast %add3A_413 : i32 to vector<16xi32>
      %add3A_415 = arith.addi %mul3A_274, %add3A_414 : vector<16xi32>
      %add3A_416 = arith.constant 2300023 : i32
      %add3A_417 = vector.broadcast %add3A_416 : i32 to vector<16xi32>
      %add3A_418 = arith.addi %get3A_271, %add3A_417 : vector<16xi32>
      tpu.vector_store_idx %arg12[%broadcast_in_dim3A, %add3A_415], %add3A_418 : memref<32x512xi32, #tpu.memory_space<vmem>>[vector<16xi32>, vector<16xi32>], vector<16xi32>,
      %add3A_419 = arith.constant 24 : i32
      %add3A_420 = vector.broadcast %add3A_419 : i32 to vector<16xi32>
      %add3A_421 = arith.addi %mul3A_274, %add3A_420 : vector<16xi32>
      %add3A_422 = arith.constant 2400024 : i32
      %add3A_423 = vector.broadcast %add3A_422 : i32 to vector<16xi32>
      %add3A_424 = arith.addi %get3A_271, %add3A_423 : vector<16xi32>
      tpu.vector_store_idx %arg12[%broadcast_in_dim3A, %add3A_421], %add3A_424 : memref<32x512xi32, #tpu.memory_space<vmem>>[vector<16xi32>, vector<16xi32>], vector<16xi32>,
      %add3A_425 = arith.constant 25 : i32
      %add3A_426 = vector.broadcast %add3A_425 : i32 to vector<16xi32>
      %add3A_427 = arith.addi %mul3A_274, %add3A_426 : vector<16xi32>
      %add3A_428 = arith.constant 2500025 : i32
      %add3A_429 = vector.broadcast %add3A_428 : i32 to vector<16xi32>
      %add3A_430 = arith.addi %get3A_271, %add3A_429 : vector<16xi32>
      tpu.vector_store_idx %arg12[%broadcast_in_dim3A, %add3A_427], %add3A_430 : memref<32x512xi32, #tpu.memory_space<vmem>>[vector<16xi32>, vector<16xi32>], vector<16xi32>,
      %add3A_431 = arith.constant 26 : i32
      %add3A_432 = vector.broadcast %add3A_431 : i32 to vector<16xi32>
      %add3A_433 = arith.addi %mul3A_274, %add3A_432 : vector<16xi32>
      %add3A_434 = arith.constant 2600026 : i32
      %add3A_435 = vector.broadcast %add3A_434 : i32 to vector<16xi32>
      %add3A_436 = arith.addi %get3A_271, %add3A_435 : vector<16xi32>
      tpu.vector_store_idx %arg12[%broadcast_in_dim3A, %add3A_433], %add3A_436 : memref<32x512xi32, #tpu.memory_space<vmem>>[vector<16xi32>, vector<16xi32>], vector<16xi32>,
      %add3A_437 = arith.constant 27 : i32
      %add3A_438 = vector.broadcast %add3A_437 : i32 to vector<16xi32>
      %add3A_439 = arith.addi %mul3A_274, %add3A_438 : vector<16xi32>
      %add3A_440 = arith.constant 2700027 : i32
      %add3A_441 = vector.broadcast %add3A_440 : i32 to vector<16xi32>
      %add3A_442 = arith.addi %get3A_271, %add3A_441 : vector<16xi32>
      tpu.vector_store_idx %arg12[%broadcast_in_dim3A, %add3A_439], %add3A_442 : memref<32x512xi32, #tpu.memory_space<vmem>>[vector<16xi32>, vector<16xi32>], vector<16xi32>,
      %add3A_443 = arith.constant 28 : i32
      %add3A_444 = vector.broadcast %add3A_443 : i32 to vector<16xi32>
      %add3A_445 = arith.addi %mul3A_274, %add3A_444 : vector<16xi32>
      %add3A_446 = arith.constant 2800028 : i32
      %add3A_447 = vector.broadcast %add3A_446 : i32 to vector<16xi32>
      %add3A_448 = arith.addi %get3A_271, %add3A_447 : vector<16xi32>
      tpu.vector_store_idx %arg12[%broadcast_in_dim3A, %add3A_445], %add3A_448 : memref<32x512xi32, #tpu.memory_space<vmem>>[vector<16xi32>, vector<16xi32>], vector<16xi32>,
      %add3A_449 = arith.constant 29 : i32
      %add3A_450 = vector.broadcast %add3A_449 : i32 to vector<16xi32>
      %add3A_451 = arith.addi %mul3A_274, %add3A_450 : vector<16xi32>
      %add3A_452 = arith.constant 2900029 : i32
      %add3A_453 = vector.broadcast %add3A_452 : i32 to vector<16xi32>
      %add3A_454 = arith.addi %get3A_271, %add3A_453 : vector<16xi32>
      tpu.vector_store_idx %arg12[%broadcast_in_dim3A, %add3A_451], %add3A_454 : memref<32x512xi32, #tpu.memory_space<vmem>>[vector<16xi32>, vector<16xi32>], vector<16xi32>,
      %add3A_455 = arith.constant 30 : i32
      %add3A_456 = vector.broadcast %add3A_455 : i32 to vector<16xi32>
      %add3A_457 = arith.addi %mul3A_274, %add3A_456 : vector<16xi32>
      %add3A_458 = arith.constant 3000030 : i32
      %add3A_459 = vector.broadcast %add3A_458 : i32 to vector<16xi32>
      %add3A_460 = arith.addi %get3A_271, %add3A_459 : vector<16xi32>
      tpu.vector_store_idx %arg12[%broadcast_in_dim3A, %add3A_457], %add3A_460 : memref<32x512xi32, #tpu.memory_space<vmem>>[vector<16xi32>, vector<16xi32>], vector<16xi32>,
      %add3A_461 = arith.constant 31 : i32
      %add3A_462 = vector.broadcast %add3A_461 : i32 to vector<16xi32>
      %add3A_463 = arith.addi %mul3A_274, %add3A_462 : vector<16xi32>
      %add3A_464 = arith.constant 3100031 : i32
      %add3A_465 = vector.broadcast %add3A_464 : i32 to vector<16xi32>
      %add3A_466 = arith.addi %get3A_271, %add3A_465 : vector<16xi32>
      tpu.vector_store_idx %arg12[%broadcast_in_dim3A, %add3A_463], %add3A_466 : memref<32x512xi32, #tpu.memory_space<vmem>>[vector<16xi32>, vector<16xi32>], vector<16xi32>,
      %mul3A_467 = arith.constant 512 : i32
      %mul3A_468 = arith.muli %scan3A_266, %mul3A_467 : i32
      %dma_start3A_469 = tpu.memref_slice %arg13[%mul3A_468] : memref<16384xf32, #tpu.memory_space<vmem>> -> memref<512xf32, #tpu.memory_space<vmem>>
      %dma_start3A_470 = arith.constant 0 : i32
      %dma_start3A_471 = tpu.memref_slice %arg12[%scan3A_266, %dma_start3A_470] : memref<32x512xi32, #tpu.memory_space<vmem>> -> memref<1x512xi32, #tpu.memory_space<vmem>>
      %dma_start3A_472 = tpu.memref_squeeze %dma_start3A_471 : memref<1x512xi32, #tpu.memory_space<vmem>> -> memref<512xi32, #tpu.memory_space<vmem>>
      %dma_start3A_473 = arith.constant 0 : i32
      %dma_start3A_474 = tpu.memref_slice %arg6[%dma_start3A_473] : memref<3200032xf32, #tpu.memory_space<hbm>> -> memref<3200032xf32, #tpu.memory_space<hbm>>
      tpu.enqueue_indirect_dma source(%dma_start3A_474 : memref<3200032xf32, #tpu.memory_space<hbm>>) target(%dma_start3A_469 : memref<512xf32, #tpu.memory_space<vmem>>) offsets(%dma_start3A_472 : memref<512xi32, #tpu.memory_space<vmem>>) semaphore(%arg19 : memref<!tpu.dma_semaphore, #tpu.memory_space<semaphore_mem>>)
    }
    %scan3A_50 = arith.constant 32 : i32
    %eq3A = arith.constant 0 : i32
    %eq3A_51 = arith.cmpi eq, %arg1, %eq3A : i32
    %convert_element_type3A = arith.extui %eq3A_51 : i1 to i32
    %cond3A = arith.constant 0 : i32
    %cond3A_52 = arith.cmpi ne, %convert_element_type3A, %cond3A : i32
    scf.if %cond3A_52 {
      "tpu.region"() ({
        %run_scoped3A = tpu.sem_alloc : memref<!tpu.dma_semaphore, #tpu.memory_space<semaphore_mem>>
        tpu.enqueue_dma source(%arg7 : memref<65x32xf32, #tpu.memory_space<hbm>>) target(%arg15 : memref<65x32xf32, #tpu.memory_space<vmem_shared>>) target_semaphore(%run_scoped3A : memref<!tpu.dma_semaphore, #tpu.memory_space<semaphore_mem>>)
        tpu.wait_dma2 semaphore(%run_scoped3A : memref<!tpu.dma_semaphore, #tpu.memory_space<semaphore_mem>>) src(%arg7 : memref<65x32xf32, #tpu.memory_space<hbm>>) dst(%arg15 : memref<65x32xf32, #tpu.memory_space<vmem_shared>>)
        tpu.yield
      }) : () -> ()
      "tpu.region"() ({
        %run_scoped3A = tpu.sem_alloc : memref<!tpu.dma_semaphore, #tpu.memory_space<semaphore_mem>>
        tpu.enqueue_dma source(%arg8 : memref<6x32xf32, #tpu.memory_space<hbm>>) target(%arg16 : memref<6x32xf32, #tpu.memory_space<vmem_shared>>) target_semaphore(%run_scoped3A : memref<!tpu.dma_semaphore, #tpu.memory_space<semaphore_mem>>)
        tpu.wait_dma2 semaphore(%run_scoped3A : memref<!tpu.dma_semaphore, #tpu.memory_space<semaphore_mem>>) src(%arg8 : memref<6x32xf32, #tpu.memory_space<hbm>>) dst(%arg16 : memref<6x32xf32, #tpu.memory_space<vmem_shared>>)
        tpu.yield
      }) : () -> ()
      "tpu.region"() ({
        %run_scoped3A = tpu.sem_alloc : memref<!tpu.dma_semaphore, #tpu.memory_space<semaphore_mem>>
        tpu.enqueue_dma source(%arg9 : memref<6x32xf32, #tpu.memory_space<hbm>>) target(%arg17 : memref<6x32xf32, #tpu.memory_space<vmem_shared>>) target_semaphore(%run_scoped3A : memref<!tpu.dma_semaphore, #tpu.memory_space<semaphore_mem>>)
        tpu.wait_dma2 semaphore(%run_scoped3A : memref<!tpu.dma_semaphore, #tpu.memory_space<semaphore_mem>>) src(%arg9 : memref<6x32xf32, #tpu.memory_space<hbm>>) dst(%arg17 : memref<6x32xf32, #tpu.memory_space<vmem_shared>>)
        tpu.yield
      }) : () -> ()
    } else {
    }
    %barrier3A = arith.constant 0 : index
    tpu.barrier barrier_id(%barrier3A)
    %dma_wait3A_53 = arith.constant 1 : i32
    %dma_wait3A_54 = arith.constant 0 : i32
    %dma_wait3A_55 = tpu.memref_slice %arg11[%dma_wait3A_53, %dma_wait3A_54] : memref<4x512xi32, #tpu.memory_space<vmem>> -> memref<1x512xi32, #tpu.memory_space<vmem>>
    %dma_wait3A_56 = tpu.memref_squeeze %dma_wait3A_55 : memref<1x512xi32, #tpu.memory_space<vmem>> -> memref<512xi32, #tpu.memory_space<vmem>>
    %dma_wait3A_57 = tpu.memref_slice %arg3[%mul3A_2] : memref<16384xi32, #tpu.memory_space<hbm>> -> memref<512xi32, #tpu.memory_space<hbm>>
    %dma_wait3A_58 = arith.constant 0 : i32
    %dma_wait3A_59 = tpu.memref_slice %arg11[%dma_wait3A_53, %dma_wait3A_58] : memref<4x512xi32, #tpu.memory_space<vmem>> -> memref<1x512xi32, #tpu.memory_space<vmem>>
    %dma_wait3A_60 = tpu.memref_squeeze %dma_wait3A_59 : memref<1x512xi32, #tpu.memory_space<vmem>> -> memref<512xi32, #tpu.memory_space<vmem>>
    %dma_wait3A_61 = tpu.memref_slice %arg3[%mul3A_2] : memref<16384xi32, #tpu.memory_space<hbm>> -> memref<512xi32, #tpu.memory_space<hbm>>
    tpu.wait_dma2 semaphore(%arg18 : memref<!tpu.dma_semaphore, #tpu.memory_space<semaphore_mem>>) src(%dma_wait3A_61 : memref<512xi32, #tpu.memory_space<hbm>>) dst(%dma_wait3A_60 : memref<512xi32, #tpu.memory_space<vmem>>)
    %dma_start3A_62 = arith.constant 1 : i32
    %dma_start3A_63 = arith.constant 1 : i32
    %dma_start3A_64 = arith.constant 0 : i32
    %dma_start3A_65 = arith.constant 0 : i32
    %dma_start3A_66 = tpu.memref_slice %arg14[%dma_start3A_63, %dma_start3A_64, %dma_start3A_65] : memref<4x512x32xf32, #tpu.memory_space<vmem>> -> memref<1x512x32xf32, #tpu.memory_space<vmem>>
    %dma_start3A_67 = tpu.memref_squeeze %dma_start3A_66 : memref<1x512x32xf32, #tpu.memory_space<vmem>> -> memref<512x32xf32, #tpu.memory_space<vmem>>
    %dma_start3A_68 = arith.constant 0 : i32
    %dma_start3A_69 = tpu.memref_slice %arg11[%dma_start3A_62, %dma_start3A_68] : memref<4x512xi32, #tpu.memory_space<vmem>> -> memref<1x512xi32, #tpu.memory_space<vmem>>
    %dma_start3A_70 = tpu.memref_squeeze %dma_start3A_69 : memref<1x512xi32, #tpu.memory_space<vmem>> -> memref<512xi32, #tpu.memory_space<vmem>>
    %dma_start3A_71 = arith.constant 0 : i32
    %dma_start3A_72 = arith.constant 0 : i32
    %dma_start3A_73 = tpu.memref_slice %arg15[%dma_start3A_71, %dma_start3A_72] : memref<65x32xf32, #tpu.memory_space<vmem_shared>> -> memref<65x32xf32, #tpu.memory_space<vmem_shared>>
    tpu.enqueue_indirect_dma source(%dma_start3A_73 : memref<65x32xf32, #tpu.memory_space<vmem_shared>>) target(%dma_start3A_67 : memref<512x32xf32, #tpu.memory_space<vmem>>) offsets(%dma_start3A_70 : memref<512xi32, #tpu.memory_space<vmem>>) semaphore(%arg20 : memref<!tpu.dma_semaphore, #tpu.memory_space<semaphore_mem>>)
    %dma_wait3A_74 = arith.constant 2 : i32
    %dma_wait3A_75 = arith.constant 0 : i32
    %dma_wait3A_76 = tpu.memref_slice %arg11[%dma_wait3A_74, %dma_wait3A_75] : memref<4x512xi32, #tpu.memory_space<vmem>> -> memref<1x512xi32, #tpu.memory_space<vmem>>
    %dma_wait3A_77 = tpu.memref_squeeze %dma_wait3A_76 : memref<1x512xi32, #tpu.memory_space<vmem>> -> memref<512xi32, #tpu.memory_space<vmem>>
    %dma_wait3A_78 = tpu.memref_slice %arg4[%mul3A_2] : memref<16384xi32, #tpu.memory_space<hbm>> -> memref<512xi32, #tpu.memory_space<hbm>>
    %dma_wait3A_79 = arith.constant 0 : i32
    %dma_wait3A_80 = tpu.memref_slice %arg11[%dma_wait3A_74, %dma_wait3A_79] : memref<4x512xi32, #tpu.memory_space<vmem>> -> memref<1x512xi32, #tpu.memory_space<vmem>>
    %dma_wait3A_81 = tpu.memref_squeeze %dma_wait3A_80 : memref<1x512xi32, #tpu.memory_space<vmem>> -> memref<512xi32, #tpu.memory_space<vmem>>
    %dma_wait3A_82 = tpu.memref_slice %arg4[%mul3A_2] : memref<16384xi32, #tpu.memory_space<hbm>> -> memref<512xi32, #tpu.memory_space<hbm>>
    tpu.wait_dma2 semaphore(%arg18 : memref<!tpu.dma_semaphore, #tpu.memory_space<semaphore_mem>>) src(%dma_wait3A_82 : memref<512xi32, #tpu.memory_space<hbm>>) dst(%dma_wait3A_81 : memref<512xi32, #tpu.memory_space<vmem>>)
    %dma_start3A_83 = arith.constant 2 : i32
    %dma_start3A_84 = arith.constant 2 : i32
    %dma_start3A_85 = arith.constant 0 : i32
    %dma_start3A_86 = arith.constant 0 : i32
    %dma_start3A_87 = tpu.memref_slice %arg14[%dma_start3A_84, %dma_start3A_85, %dma_start3A_86] : memref<4x512x32xf32, #tpu.memory_space<vmem>> -> memref<1x512x32xf32, #tpu.memory_space<vmem>>
    %dma_start3A_88 = tpu.memref_squeeze %dma_start3A_87 : memref<1x512x32xf32, #tpu.memory_space<vmem>> -> memref<512x32xf32, #tpu.memory_space<vmem>>
    %dma_start3A_89 = arith.constant 0 : i32
    %dma_start3A_90 = tpu.memref_slice %arg11[%dma_start3A_83, %dma_start3A_89] : memref<4x512xi32, #tpu.memory_space<vmem>> -> memref<1x512xi32, #tpu.memory_space<vmem>>
    %dma_start3A_91 = tpu.memref_squeeze %dma_start3A_90 : memref<1x512xi32, #tpu.memory_space<vmem>> -> memref<512xi32, #tpu.memory_space<vmem>>
    %dma_start3A_92 = arith.constant 0 : i32
    %dma_start3A_93 = arith.constant 0 : i32
    %dma_start3A_94 = tpu.memref_slice %arg16[%dma_start3A_92, %dma_start3A_93] : memref<6x32xf32, #tpu.memory_space<vmem_shared>> -> memref<6x32xf32, #tpu.memory_space<vmem_shared>>
    tpu.enqueue_indirect_dma source(%dma_start3A_94 : memref<6x32xf32, #tpu.memory_space<vmem_shared>>) target(%dma_start3A_88 : memref<512x32xf32, #tpu.memory_space<vmem>>) offsets(%dma_start3A_91 : memref<512xi32, #tpu.memory_space<vmem>>) semaphore(%arg20 : memref<!tpu.dma_semaphore, #tpu.memory_space<semaphore_mem>>)
    %dma_wait3A_95 = arith.constant 3 : i32
    %dma_wait3A_96 = arith.constant 0 : i32
    %dma_wait3A_97 = tpu.memref_slice %arg11[%dma_wait3A_95, %dma_wait3A_96] : memref<4x512xi32, #tpu.memory_space<vmem>> -> memref<1x512xi32, #tpu.memory_space<vmem>>
    %dma_wait3A_98 = tpu.memref_squeeze %dma_wait3A_97 : memref<1x512xi32, #tpu.memory_space<vmem>> -> memref<512xi32, #tpu.memory_space<vmem>>
    %dma_wait3A_99 = tpu.memref_slice %arg5[%mul3A_2] : memref<16384xi32, #tpu.memory_space<hbm>> -> memref<512xi32, #tpu.memory_space<hbm>>
    %dma_wait3A_100 = arith.constant 0 : i32
    %dma_wait3A_101 = tpu.memref_slice %arg11[%dma_wait3A_95, %dma_wait3A_100] : memref<4x512xi32, #tpu.memory_space<vmem>> -> memref<1x512xi32, #tpu.memory_space<vmem>>
    %dma_wait3A_102 = tpu.memref_squeeze %dma_wait3A_101 : memref<1x512xi32, #tpu.memory_space<vmem>> -> memref<512xi32, #tpu.memory_space<vmem>>
    %dma_wait3A_103 = tpu.memref_slice %arg5[%mul3A_2] : memref<16384xi32, #tpu.memory_space<hbm>> -> memref<512xi32, #tpu.memory_space<hbm>>
    tpu.wait_dma2 semaphore(%arg18 : memref<!tpu.dma_semaphore, #tpu.memory_space<semaphore_mem>>) src(%dma_wait3A_103 : memref<512xi32, #tpu.memory_space<hbm>>) dst(%dma_wait3A_102 : memref<512xi32, #tpu.memory_space<vmem>>)
    %dma_start3A_104 = arith.constant 3 : i32
    %dma_start3A_105 = arith.constant 3 : i32
    %dma_start3A_106 = arith.constant 0 : i32
    %dma_start3A_107 = arith.constant 0 : i32
    %dma_start3A_108 = tpu.memref_slice %arg14[%dma_start3A_105, %dma_start3A_106, %dma_start3A_107] : memref<4x512x32xf32, #tpu.memory_space<vmem>> -> memref<1x512x32xf32, #tpu.memory_space<vmem>>
    %dma_start3A_109 = tpu.memref_squeeze %dma_start3A_108 : memref<1x512x32xf32, #tpu.memory_space<vmem>> -> memref<512x32xf32, #tpu.memory_space<vmem>>
    %dma_start3A_110 = arith.constant 0 : i32
    %dma_start3A_111 = tpu.memref_slice %arg11[%dma_start3A_104, %dma_start3A_110] : memref<4x512xi32, #tpu.memory_space<vmem>> -> memref<1x512xi32, #tpu.memory_space<vmem>>
    %dma_start3A_112 = tpu.memref_squeeze %dma_start3A_111 : memref<1x512xi32, #tpu.memory_space<vmem>> -> memref<512xi32, #tpu.memory_space<vmem>>
    %dma_start3A_113 = arith.constant 0 : i32
    %dma_start3A_114 = arith.constant 0 : i32
    %dma_start3A_115 = tpu.memref_slice %arg17[%dma_start3A_113, %dma_start3A_114] : memref<6x32xf32, #tpu.memory_space<vmem_shared>> -> memref<6x32xf32, #tpu.memory_space<vmem_shared>>
    tpu.enqueue_indirect_dma source(%dma_start3A_115 : memref<6x32xf32, #tpu.memory_space<vmem_shared>>) target(%dma_start3A_109 : memref<512x32xf32, #tpu.memory_space<vmem>>) offsets(%dma_start3A_112 : memref<512xi32, #tpu.memory_space<vmem>>) semaphore(%arg20 : memref<!tpu.dma_semaphore, #tpu.memory_space<semaphore_mem>>)
    %dma_wait3A_116 = arith.constant 0 : i32
    %dma_wait3A_117 = tpu.memref_slice %arg6[%dma_wait3A_116] : memref<3200032xf32, #tpu.memory_space<hbm>> -> memref<16384xf32, #tpu.memory_space<hbm>>
    %dma_wait3A_118 = arith.constant 0 : i32
    %dma_wait3A_119 = tpu.memref_slice %arg6[%dma_wait3A_118] : memref<3200032xf32, #tpu.memory_space<hbm>> -> memref<16384xf32, #tpu.memory_space<hbm>>
    tpu.wait_dma2 semaphore(%arg19 : memref<!tpu.dma_semaphore, #tpu.memory_space<semaphore_mem>>) src(%dma_wait3A_119 : memref<16384xf32, #tpu.memory_space<hbm>>) dst(%arg13 : memref<16384xf32, #tpu.memory_space<vmem>>)
    %scan3A_120 = arith.constant 0 : i32
    %scan3A_121 = arith.constant 0 : i32
    %scan3A_122 = arith.constant 128 : i32
    %scan3A_123 = arith.addi %scan3A_121, %scan3A_122 : i32
    %scan3A_124 = arith.constant 1 : i32
    scf.for %scan3A_266 = %scan3A_121 to %scan3A_123 step %scan3A_124  : i32 {
      %mul3A_267 = arith.constant 4 : i32
      %mul3A_268 = arith.muli %scan3A_266, %mul3A_267 : i32
      %add3A_269 = arith.constant 0 : i32
      %add3A_270 = arith.addi %mul3A_268, %add3A_269 : i32
      %mul3A_271 = arith.constant 32 : i32
      %mul3A_272 = arith.muli %add3A_270, %mul3A_271 : i32
      %get3A = arith.index_cast %mul3A_272 : i32 to index
      %get3A_273 = tpu.vector_load %arg13[%get3A] {strides = array<i32>} : memref<16384xf32, #tpu.memory_space<vmem>>, vector<16xf32>,
      %swap3A = arith.constant 0 : i32
      %swap3A_274 = arith.index_cast %swap3A : i32 to index
      %swap3A_275 = arith.index_cast %add3A_270 : i32 to index
      %swap3A_276 = arith.constant 0 : index
      %swap3A_277 = tpu.vector_load %arg14[%swap3A_274, %swap3A_275, %swap3A_276] {strides = array<i32>} : memref<4x512x32xf32, #tpu.memory_space<vmem>>, vector<16xf32>,
      tpu.vector_store %arg14[%swap3A_274, %swap3A_275, %swap3A_276], %get3A_273 {strides = array<i32>} : memref<4x512x32xf32, #tpu.memory_space<vmem>>, vector<16xf32>,
      %mul3A_278 = arith.constant 32 : i32
      %mul3A_279 = arith.muli %add3A_270, %mul3A_278 : i32
      %add3A_280 = arith.constant 16 : i32
      %add3A_281 = arith.addi %mul3A_279, %add3A_280 : i32
      %get3A_282 = arith.index_cast %add3A_281 : i32 to index
      %get3A_283 = tpu.vector_load %arg13[%get3A_282] {strides = array<i32>} : memref<16384xf32, #tpu.memory_space<vmem>>, vector<16xf32>,
      %swap3A_284 = arith.constant 0 : i32
      %swap3A_285 = arith.index_cast %swap3A_284 : i32 to index
      %swap3A_286 = arith.index_cast %add3A_270 : i32 to index
      %swap3A_287 = arith.constant 16 : index
      %swap3A_288 = tpu.vector_load %arg14[%swap3A_285, %swap3A_286, %swap3A_287] {strides = array<i32>} : memref<4x512x32xf32, #tpu.memory_space<vmem>>, vector<16xf32>,
      tpu.vector_store %arg14[%swap3A_285, %swap3A_286, %swap3A_287], %get3A_283 {strides = array<i32>} : memref<4x512x32xf32, #tpu.memory_space<vmem>>, vector<16xf32>,
      %add3A_289 = arith.constant 1 : i32
      %add3A_290 = arith.addi %mul3A_268, %add3A_289 : i32
      %mul3A_291 = arith.constant 32 : i32
      %mul3A_292 = arith.muli %add3A_290, %mul3A_291 : i32
      %get3A_293 = arith.index_cast %mul3A_292 : i32 to index
      %get3A_294 = tpu.vector_load %arg13[%get3A_293] {strides = array<i32>} : memref<16384xf32, #tpu.memory_space<vmem>>, vector<16xf32>,
      %swap3A_295 = arith.constant 0 : i32
      %swap3A_296 = arith.index_cast %swap3A_295 : i32 to index
      %swap3A_297 = arith.index_cast %add3A_290 : i32 to index
      %swap3A_298 = arith.constant 0 : index
      %swap3A_299 = tpu.vector_load %arg14[%swap3A_296, %swap3A_297, %swap3A_298] {strides = array<i32>} : memref<4x512x32xf32, #tpu.memory_space<vmem>>, vector<16xf32>,
      tpu.vector_store %arg14[%swap3A_296, %swap3A_297, %swap3A_298], %get3A_294 {strides = array<i32>} : memref<4x512x32xf32, #tpu.memory_space<vmem>>, vector<16xf32>,
      %mul3A_300 = arith.constant 32 : i32
      %mul3A_301 = arith.muli %add3A_290, %mul3A_300 : i32
      %add3A_302 = arith.constant 16 : i32
      %add3A_303 = arith.addi %mul3A_301, %add3A_302 : i32
      %get3A_304 = arith.index_cast %add3A_303 : i32 to index
      %get3A_305 = tpu.vector_load %arg13[%get3A_304] {strides = array<i32>} : memref<16384xf32, #tpu.memory_space<vmem>>, vector<16xf32>,
      %swap3A_306 = arith.constant 0 : i32
      %swap3A_307 = arith.index_cast %swap3A_306 : i32 to index
      %swap3A_308 = arith.index_cast %add3A_290 : i32 to index
      %swap3A_309 = arith.constant 16 : index
      %swap3A_310 = tpu.vector_load %arg14[%swap3A_307, %swap3A_308, %swap3A_309] {strides = array<i32>} : memref<4x512x32xf32, #tpu.memory_space<vmem>>, vector<16xf32>,
      tpu.vector_store %arg14[%swap3A_307, %swap3A_308, %swap3A_309], %get3A_305 {strides = array<i32>} : memref<4x512x32xf32, #tpu.memory_space<vmem>>, vector<16xf32>,
      %add3A_311 = arith.constant 2 : i32
      %add3A_312 = arith.addi %mul3A_268, %add3A_311 : i32
      %mul3A_313 = arith.constant 32 : i32
      %mul3A_314 = arith.muli %add3A_312, %mul3A_313 : i32
      %get3A_315 = arith.index_cast %mul3A_314 : i32 to index
      %get3A_316 = tpu.vector_load %arg13[%get3A_315] {strides = array<i32>} : memref<16384xf32, #tpu.memory_space<vmem>>, vector<16xf32>,
      %swap3A_317 = arith.constant 0 : i32
      %swap3A_318 = arith.index_cast %swap3A_317 : i32 to index
      %swap3A_319 = arith.index_cast %add3A_312 : i32 to index
      %swap3A_320 = arith.constant 0 : index
      %swap3A_321 = tpu.vector_load %arg14[%swap3A_318, %swap3A_319, %swap3A_320] {strides = array<i32>} : memref<4x512x32xf32, #tpu.memory_space<vmem>>, vector<16xf32>,
      tpu.vector_store %arg14[%swap3A_318, %swap3A_319, %swap3A_320], %get3A_316 {strides = array<i32>} : memref<4x512x32xf32, #tpu.memory_space<vmem>>, vector<16xf32>,
      %mul3A_322 = arith.constant 32 : i32
      %mul3A_323 = arith.muli %add3A_312, %mul3A_322 : i32
      %add3A_324 = arith.constant 16 : i32
      %add3A_325 = arith.addi %mul3A_323, %add3A_324 : i32
      %get3A_326 = arith.index_cast %add3A_325 : i32 to index
      %get3A_327 = tpu.vector_load %arg13[%get3A_326] {strides = array<i32>} : memref<16384xf32, #tpu.memory_space<vmem>>, vector<16xf32>,
      %swap3A_328 = arith.constant 0 : i32
      %swap3A_329 = arith.index_cast %swap3A_328 : i32 to index
      %swap3A_330 = arith.index_cast %add3A_312 : i32 to index
      %swap3A_331 = arith.constant 16 : index
      %swap3A_332 = tpu.vector_load %arg14[%swap3A_329, %swap3A_330, %swap3A_331] {strides = array<i32>} : memref<4x512x32xf32, #tpu.memory_space<vmem>>, vector<16xf32>,
      tpu.vector_store %arg14[%swap3A_329, %swap3A_330, %swap3A_331], %get3A_327 {strides = array<i32>} : memref<4x512x32xf32, #tpu.memory_space<vmem>>, vector<16xf32>,
      %add3A_333 = arith.constant 3 : i32
      %add3A_334 = arith.addi %mul3A_268, %add3A_333 : i32
      %mul3A_335 = arith.constant 32 : i32
      %mul3A_336 = arith.muli %add3A_334, %mul3A_335 : i32
      %get3A_337 = arith.index_cast %mul3A_336 : i32 to index
      %get3A_338 = tpu.vector_load %arg13[%get3A_337] {strides = array<i32>} : memref<16384xf32, #tpu.memory_space<vmem>>, vector<16xf32>,
      %swap3A_339 = arith.constant 0 : i32
      %swap3A_340 = arith.index_cast %swap3A_339 : i32 to index
      %swap3A_341 = arith.index_cast %add3A_334 : i32 to index
      %swap3A_342 = arith.constant 0 : index
      %swap3A_343 = tpu.vector_load %arg14[%swap3A_340, %swap3A_341, %swap3A_342] {strides = array<i32>} : memref<4x512x32xf32, #tpu.memory_space<vmem>>, vector<16xf32>,
      tpu.vector_store %arg14[%swap3A_340, %swap3A_341, %swap3A_342], %get3A_338 {strides = array<i32>} : memref<4x512x32xf32, #tpu.memory_space<vmem>>, vector<16xf32>,
      %mul3A_344 = arith.constant 32 : i32
      %mul3A_345 = arith.muli %add3A_334, %mul3A_344 : i32
      %add3A_346 = arith.constant 16 : i32
      %add3A_347 = arith.addi %mul3A_345, %add3A_346 : i32
      %get3A_348 = arith.index_cast %add3A_347 : i32 to index
      %get3A_349 = tpu.vector_load %arg13[%get3A_348] {strides = array<i32>} : memref<16384xf32, #tpu.memory_space<vmem>>, vector<16xf32>,
      %swap3A_350 = arith.constant 0 : i32
      %swap3A_351 = arith.index_cast %swap3A_350 : i32 to index
      %swap3A_352 = arith.index_cast %add3A_334 : i32 to index
      %swap3A_353 = arith.constant 16 : index
      %swap3A_354 = tpu.vector_load %arg14[%swap3A_351, %swap3A_352, %swap3A_353] {strides = array<i32>} : memref<4x512x32xf32, #tpu.memory_space<vmem>>, vector<16xf32>,
      tpu.vector_store %arg14[%swap3A_351, %swap3A_352, %swap3A_353], %get3A_349 {strides = array<i32>} : memref<4x512x32xf32, #tpu.memory_space<vmem>>, vector<16xf32>,
    }
    %scan3A_125 = arith.constant 128 : i32
    %dma_wait3A_126 = arith.constant 1 : i32
    %dma_wait3A_127 = arith.constant 1 : i32
    %dma_wait3A_128 = arith.constant 0 : i32
    %dma_wait3A_129 = arith.constant 0 : i32
    %dma_wait3A_130 = tpu.memref_slice %arg14[%dma_wait3A_127, %dma_wait3A_128, %dma_wait3A_129] : memref<4x512x32xf32, #tpu.memory_space<vmem>> -> memref<1x512x32xf32, #tpu.memory_space<vmem>>
    %dma_wait3A_131 = tpu.memref_squeeze %dma_wait3A_130 : memref<1x512x32xf32, #tpu.memory_space<vmem>> -> memref<512x32xf32, #tpu.memory_space<vmem>>
    %dma_wait3A_132 = arith.constant 0 : i32
    %dma_wait3A_133 = tpu.memref_slice %arg11[%dma_wait3A_126, %dma_wait3A_132] : memref<4x512xi32, #tpu.memory_space<vmem>> -> memref<1x512xi32, #tpu.memory_space<vmem>>
    %dma_wait3A_134 = tpu.memref_squeeze %dma_wait3A_133 : memref<1x512xi32, #tpu.memory_space<vmem>> -> memref<512xi32, #tpu.memory_space<vmem>>
    %dma_wait3A_135 = arith.constant 0 : i32
    %dma_wait3A_136 = arith.constant 0 : i32
    %dma_wait3A_137 = tpu.memref_slice %arg15[%dma_wait3A_135, %dma_wait3A_136] : memref<65x32xf32, #tpu.memory_space<vmem_shared>> -> memref<65x32xf32, #tpu.memory_space<vmem_shared>>
    tpu.wait_indirect_dma semaphore(%arg20 : memref<!tpu.dma_semaphore, #tpu.memory_space<semaphore_mem>>) src(%dma_wait3A_137 : memref<65x32xf32, #tpu.memory_space<vmem_shared>>) dst(%dma_wait3A_131 : memref<512x32xf32, #tpu.memory_space<vmem>>)
    %dma_wait3A_138 = arith.constant 2 : i32
    %dma_wait3A_139 = arith.constant 2 : i32
    %dma_wait3A_140 = arith.constant 0 : i32
    %dma_wait3A_141 = arith.constant 0 : i32
    %dma_wait3A_142 = tpu.memref_slice %arg14[%dma_wait3A_139, %dma_wait3A_140, %dma_wait3A_141] : memref<4x512x32xf32, #tpu.memory_space<vmem>> -> memref<1x512x32xf32, #tpu.memory_space<vmem>>
    %dma_wait3A_143 = tpu.memref_squeeze %dma_wait3A_142 : memref<1x512x32xf32, #tpu.memory_space<vmem>> -> memref<512x32xf32, #tpu.memory_space<vmem>>
    %dma_wait3A_144 = arith.constant 0 : i32
    %dma_wait3A_145 = tpu.memref_slice %arg11[%dma_wait3A_138, %dma_wait3A_144] : memref<4x512xi32, #tpu.memory_space<vmem>> -> memref<1x512xi32, #tpu.memory_space<vmem>>
    %dma_wait3A_146 = tpu.memref_squeeze %dma_wait3A_145 : memref<1x512xi32, #tpu.memory_space<vmem>> -> memref<512xi32, #tpu.memory_space<vmem>>
    %dma_wait3A_147 = arith.constant 0 : i32
    %dma_wait3A_148 = arith.constant 0 : i32
    %dma_wait3A_149 = tpu.memref_slice %arg16[%dma_wait3A_147, %dma_wait3A_148] : memref<6x32xf32, #tpu.memory_space<vmem_shared>> -> memref<6x32xf32, #tpu.memory_space<vmem_shared>>
    tpu.wait_indirect_dma semaphore(%arg20 : memref<!tpu.dma_semaphore, #tpu.memory_space<semaphore_mem>>) src(%dma_wait3A_149 : memref<6x32xf32, #tpu.memory_space<vmem_shared>>) dst(%dma_wait3A_143 : memref<512x32xf32, #tpu.memory_space<vmem>>)
    %dma_wait3A_150 = arith.constant 3 : i32
    %dma_wait3A_151 = arith.constant 3 : i32
    %dma_wait3A_152 = arith.constant 0 : i32
    %dma_wait3A_153 = arith.constant 0 : i32
    %dma_wait3A_154 = tpu.memref_slice %arg14[%dma_wait3A_151, %dma_wait3A_152, %dma_wait3A_153] : memref<4x512x32xf32, #tpu.memory_space<vmem>> -> memref<1x512x32xf32, #tpu.memory_space<vmem>>
    %dma_wait3A_155 = tpu.memref_squeeze %dma_wait3A_154 : memref<1x512x32xf32, #tpu.memory_space<vmem>> -> memref<512x32xf32, #tpu.memory_space<vmem>>
    %dma_wait3A_156 = arith.constant 0 : i32
    %dma_wait3A_157 = tpu.memref_slice %arg11[%dma_wait3A_150, %dma_wait3A_156] : memref<4x512xi32, #tpu.memory_space<vmem>> -> memref<1x512xi32, #tpu.memory_space<vmem>>
    %dma_wait3A_158 = tpu.memref_squeeze %dma_wait3A_157 : memref<1x512xi32, #tpu.memory_space<vmem>> -> memref<512xi32, #tpu.memory_space<vmem>>
    %dma_wait3A_159 = arith.constant 0 : i32
    %dma_wait3A_160 = arith.constant 0 : i32
    %dma_wait3A_161 = tpu.memref_slice %arg17[%dma_wait3A_159, %dma_wait3A_160] : memref<6x32xf32, #tpu.memory_space<vmem_shared>> -> memref<6x32xf32, #tpu.memory_space<vmem_shared>>
    tpu.wait_indirect_dma semaphore(%arg20 : memref<!tpu.dma_semaphore, #tpu.memory_space<semaphore_mem>>) src(%dma_wait3A_161 : memref<6x32xf32, #tpu.memory_space<vmem_shared>>) dst(%dma_wait3A_155 : memref<512x32xf32, #tpu.memory_space<vmem>>)
    %dma_start3A_162 = arith.constant 0 : i32
    %dma_start3A_163 = arith.constant 0 : i32
    %dma_start3A_164 = arith.constant 0 : i32
    %dma_start3A_165 = tpu.memref_slice %arg14[%dma_start3A_162, %dma_start3A_163, %dma_start3A_164] : memref<4x512x32xf32, #tpu.memory_space<vmem>> -> memref<1x512x32xf32, #tpu.memory_space<vmem>>
    %dma_start3A_166 = tpu.memref_squeeze %dma_start3A_165 : memref<1x512x32xf32, #tpu.memory_space<vmem>> -> memref<512x32xf32, #tpu.memory_space<vmem>>
    %dma_start3A_167 = arith.constant 0 : i32
    %dma_start3A_168 = tpu.memref_slice %arg10[%mul3A_2, %dma_start3A_167] : memref<16384x128xf32, #tpu.memory_space<hbm>> -> memref<512x32xf32, #tpu.memory_space<hbm>>
    %dma_start3A_169 = arith.constant 0 : i32
    %dma_start3A_170 = tpu.memref_slice %arg10[%mul3A_2, %dma_start3A_169] : memref<16384x128xf32, #tpu.memory_space<hbm>> -> memref<512x32xf32, #tpu.memory_space<hbm>>
    %dma_start3A_171 = arith.constant 0 : i32
    %dma_start3A_172 = arith.constant 0 : i32
    %dma_start3A_173 = tpu.memref_slice %arg14[%dma_start3A_162, %dma_start3A_171, %dma_start3A_172] : memref<4x512x32xf32, #tpu.memory_space<vmem>> -> memref<1x512x32xf32, #tpu.memory_space<vmem>>
    %dma_start3A_174 = tpu.memref_squeeze %dma_start3A_173 : memref<1x512x32xf32, #tpu.memory_space<vmem>> -> memref<512x32xf32, #tpu.memory_space<vmem>>
    tpu.enqueue_dma source(%dma_start3A_174 : memref<512x32xf32, #tpu.memory_space<vmem>>) target(%dma_start3A_170 : memref<512x32xf32, #tpu.memory_space<hbm>>) target_semaphore(%arg21 : memref<!tpu.dma_semaphore, #tpu.memory_space<semaphore_mem>>)
    %dma_start3A_175 = arith.constant 1 : i32
    %dma_start3A_176 = arith.constant 0 : i32
    %dma_start3A_177 = arith.constant 0 : i32
    %dma_start3A_178 = tpu.memref_slice %arg14[%dma_start3A_175, %dma_start3A_176, %dma_start3A_177] : memref<4x512x32xf32, #tpu.memory_space<vmem>> -> memref<1x512x32xf32, #tpu.memory_space<vmem>>
    %dma_start3A_179 = tpu.memref_squeeze %dma_start3A_178 : memref<1x512x32xf32, #tpu.memory_space<vmem>> -> memref<512x32xf32, #tpu.memory_space<vmem>>
    %dma_start3A_180 = arith.constant 32 : i32
    %dma_start3A_181 = tpu.memref_slice %arg10[%mul3A_2, %dma_start3A_180] : memref<16384x128xf32, #tpu.memory_space<hbm>> -> memref<512x32xf32, #tpu.memory_space<hbm>>
    %dma_start3A_182 = arith.constant 32 : i32
    %dma_start3A_183 = tpu.memref_slice %arg10[%mul3A_2, %dma_start3A_182] : memref<16384x128xf32, #tpu.memory_space<hbm>> -> memref<512x32xf32, #tpu.memory_space<hbm>>
    %dma_start3A_184 = arith.constant 0 : i32
    %dma_start3A_185 = arith.constant 0 : i32
    %dma_start3A_186 = tpu.memref_slice %arg14[%dma_start3A_175, %dma_start3A_184, %dma_start3A_185] : memref<4x512x32xf32, #tpu.memory_space<vmem>> -> memref<1x512x32xf32, #tpu.memory_space<vmem>>
    %dma_start3A_187 = tpu.memref_squeeze %dma_start3A_186 : memref<1x512x32xf32, #tpu.memory_space<vmem>> -> memref<512x32xf32, #tpu.memory_space<vmem>>
    tpu.enqueue_dma source(%dma_start3A_187 : memref<512x32xf32, #tpu.memory_space<vmem>>) target(%dma_start3A_183 : memref<512x32xf32, #tpu.memory_space<hbm>>) target_semaphore(%arg21 : memref<!tpu.dma_semaphore, #tpu.memory_space<semaphore_mem>>)
    %dma_start3A_188 = arith.constant 2 : i32
    %dma_start3A_189 = arith.constant 0 : i32
    %dma_start3A_190 = arith.constant 0 : i32
    %dma_start3A_191 = tpu.memref_slice %arg14[%dma_start3A_188, %dma_start3A_189, %dma_start3A_190] : memref<4x512x32xf32, #tpu.memory_space<vmem>> -> memref<1x512x32xf32, #tpu.memory_space<vmem>>
    %dma_start3A_192 = tpu.memref_squeeze %dma_start3A_191 : memref<1x512x32xf32, #tpu.memory_space<vmem>> -> memref<512x32xf32, #tpu.memory_space<vmem>>
    %dma_start3A_193 = arith.constant 64 : i32
    %dma_start3A_194 = tpu.memref_slice %arg10[%mul3A_2, %dma_start3A_193] : memref<16384x128xf32, #tpu.memory_space<hbm>> -> memref<512x32xf32, #tpu.memory_space<hbm>>
    %dma_start3A_195 = arith.constant 64 : i32
    %dma_start3A_196 = tpu.memref_slice %arg10[%mul3A_2, %dma_start3A_195] : memref<16384x128xf32, #tpu.memory_space<hbm>> -> memref<512x32xf32, #tpu.memory_space<hbm>>
    %dma_start3A_197 = arith.constant 0 : i32
    %dma_start3A_198 = arith.constant 0 : i32
    %dma_start3A_199 = tpu.memref_slice %arg14[%dma_start3A_188, %dma_start3A_197, %dma_start3A_198] : memref<4x512x32xf32, #tpu.memory_space<vmem>> -> memref<1x512x32xf32, #tpu.memory_space<vmem>>
    %dma_start3A_200 = tpu.memref_squeeze %dma_start3A_199 : memref<1x512x32xf32, #tpu.memory_space<vmem>> -> memref<512x32xf32, #tpu.memory_space<vmem>>
    tpu.enqueue_dma source(%dma_start3A_200 : memref<512x32xf32, #tpu.memory_space<vmem>>) target(%dma_start3A_196 : memref<512x32xf32, #tpu.memory_space<hbm>>) target_semaphore(%arg21 : memref<!tpu.dma_semaphore, #tpu.memory_space<semaphore_mem>>)
    %dma_start3A_201 = arith.constant 3 : i32
    %dma_start3A_202 = arith.constant 0 : i32
    %dma_start3A_203 = arith.constant 0 : i32
    %dma_start3A_204 = tpu.memref_slice %arg14[%dma_start3A_201, %dma_start3A_202, %dma_start3A_203] : memref<4x512x32xf32, #tpu.memory_space<vmem>> -> memref<1x512x32xf32, #tpu.memory_space<vmem>>
    %dma_start3A_205 = tpu.memref_squeeze %dma_start3A_204 : memref<1x512x32xf32, #tpu.memory_space<vmem>> -> memref<512x32xf32, #tpu.memory_space<vmem>>
    %dma_start3A_206 = arith.constant 96 : i32
    %dma_start3A_207 = tpu.memref_slice %arg10[%mul3A_2, %dma_start3A_206] : memref<16384x128xf32, #tpu.memory_space<hbm>> -> memref<512x32xf32, #tpu.memory_space<hbm>>
    %dma_start3A_208 = arith.constant 96 : i32
    %dma_start3A_209 = tpu.memref_slice %arg10[%mul3A_2, %dma_start3A_208] : memref<16384x128xf32, #tpu.memory_space<hbm>> -> memref<512x32xf32, #tpu.memory_space<hbm>>
    %dma_start3A_210 = arith.constant 0 : i32
    %dma_start3A_211 = arith.constant 0 : i32
    %dma_start3A_212 = tpu.memref_slice %arg14[%dma_start3A_201, %dma_start3A_210, %dma_start3A_211] : memref<4x512x32xf32, #tpu.memory_space<vmem>> -> memref<1x512x32xf32, #tpu.memory_space<vmem>>
    %dma_start3A_213 = tpu.memref_squeeze %dma_start3A_212 : memref<1x512x32xf32, #tpu.memory_space<vmem>> -> memref<512x32xf32, #tpu.memory_space<vmem>>
    tpu.enqueue_dma source(%dma_start3A_213 : memref<512x32xf32, #tpu.memory_space<vmem>>) target(%dma_start3A_209 : memref<512x32xf32, #tpu.memory_space<hbm>>) target_semaphore(%arg21 : memref<!tpu.dma_semaphore, #tpu.memory_space<semaphore_mem>>)
    %dma_wait3A_214 = arith.constant 0 : i32
    %dma_wait3A_215 = arith.constant 0 : i32
    %dma_wait3A_216 = arith.constant 0 : i32
    %dma_wait3A_217 = tpu.memref_slice %arg14[%dma_wait3A_214, %dma_wait3A_215, %dma_wait3A_216] : memref<4x512x32xf32, #tpu.memory_space<vmem>> -> memref<1x512x32xf32, #tpu.memory_space<vmem>>
    %dma_wait3A_218 = tpu.memref_squeeze %dma_wait3A_217 : memref<1x512x32xf32, #tpu.memory_space<vmem>> -> memref<512x32xf32, #tpu.memory_space<vmem>>
    %dma_wait3A_219 = arith.constant 0 : i32
    %dma_wait3A_220 = tpu.memref_slice %arg10[%mul3A_2, %dma_wait3A_219] : memref<16384x128xf32, #tpu.memory_space<hbm>> -> memref<512x32xf32, #tpu.memory_space<hbm>>
    %dma_wait3A_221 = arith.constant 0 : i32
    %dma_wait3A_222 = tpu.memref_slice %arg10[%mul3A_2, %dma_wait3A_221] : memref<16384x128xf32, #tpu.memory_space<hbm>> -> memref<512x32xf32, #tpu.memory_space<hbm>>
    %dma_wait3A_223 = arith.constant 0 : i32
    %dma_wait3A_224 = arith.constant 0 : i32
    %dma_wait3A_225 = tpu.memref_slice %arg14[%dma_wait3A_214, %dma_wait3A_223, %dma_wait3A_224] : memref<4x512x32xf32, #tpu.memory_space<vmem>> -> memref<1x512x32xf32, #tpu.memory_space<vmem>>
    %dma_wait3A_226 = tpu.memref_squeeze %dma_wait3A_225 : memref<1x512x32xf32, #tpu.memory_space<vmem>> -> memref<512x32xf32, #tpu.memory_space<vmem>>
    tpu.wait_dma2 semaphore(%arg21 : memref<!tpu.dma_semaphore, #tpu.memory_space<semaphore_mem>>) src(%dma_wait3A_226 : memref<512x32xf32, #tpu.memory_space<vmem>>) dst(%dma_wait3A_222 : memref<512x32xf32, #tpu.memory_space<hbm>>)
    %dma_wait3A_227 = arith.constant 1 : i32
    %dma_wait3A_228 = arith.constant 0 : i32
    %dma_wait3A_229 = arith.constant 0 : i32
    %dma_wait3A_230 = tpu.memref_slice %arg14[%dma_wait3A_227, %dma_wait3A_228, %dma_wait3A_229] : memref<4x512x32xf32, #tpu.memory_space<vmem>> -> memref<1x512x32xf32, #tpu.memory_space<vmem>>
    %dma_wait3A_231 = tpu.memref_squeeze %dma_wait3A_230 : memref<1x512x32xf32, #tpu.memory_space<vmem>> -> memref<512x32xf32, #tpu.memory_space<vmem>>
    %dma_wait3A_232 = arith.constant 32 : i32
    %dma_wait3A_233 = tpu.memref_slice %arg10[%mul3A_2, %dma_wait3A_232] : memref<16384x128xf32, #tpu.memory_space<hbm>> -> memref<512x32xf32, #tpu.memory_space<hbm>>
    %dma_wait3A_234 = arith.constant 32 : i32
    %dma_wait3A_235 = tpu.memref_slice %arg10[%mul3A_2, %dma_wait3A_234] : memref<16384x128xf32, #tpu.memory_space<hbm>> -> memref<512x32xf32, #tpu.memory_space<hbm>>
    %dma_wait3A_236 = arith.constant 0 : i32
    %dma_wait3A_237 = arith.constant 0 : i32
    %dma_wait3A_238 = tpu.memref_slice %arg14[%dma_wait3A_227, %dma_wait3A_236, %dma_wait3A_237] : memref<4x512x32xf32, #tpu.memory_space<vmem>> -> memref<1x512x32xf32, #tpu.memory_space<vmem>>
    %dma_wait3A_239 = tpu.memref_squeeze %dma_wait3A_238 : memref<1x512x32xf32, #tpu.memory_space<vmem>> -> memref<512x32xf32, #tpu.memory_space<vmem>>
    tpu.wait_dma2 semaphore(%arg21 : memref<!tpu.dma_semaphore, #tpu.memory_space<semaphore_mem>>) src(%dma_wait3A_239 : memref<512x32xf32, #tpu.memory_space<vmem>>) dst(%dma_wait3A_235 : memref<512x32xf32, #tpu.memory_space<hbm>>)
    %dma_wait3A_240 = arith.constant 2 : i32
    %dma_wait3A_241 = arith.constant 0 : i32
    %dma_wait3A_242 = arith.constant 0 : i32
    %dma_wait3A_243 = tpu.memref_slice %arg14[%dma_wait3A_240, %dma_wait3A_241, %dma_wait3A_242] : memref<4x512x32xf32, #tpu.memory_space<vmem>> -> memref<1x512x32xf32, #tpu.memory_space<vmem>>
    %dma_wait3A_244 = tpu.memref_squeeze %dma_wait3A_243 : memref<1x512x32xf32, #tpu.memory_space<vmem>> -> memref<512x32xf32, #tpu.memory_space<vmem>>
    %dma_wait3A_245 = arith.constant 64 : i32
    %dma_wait3A_246 = tpu.memref_slice %arg10[%mul3A_2, %dma_wait3A_245] : memref<16384x128xf32, #tpu.memory_space<hbm>> -> memref<512x32xf32, #tpu.memory_space<hbm>>
    %dma_wait3A_247 = arith.constant 64 : i32
    %dma_wait3A_248 = tpu.memref_slice %arg10[%mul3A_2, %dma_wait3A_247] : memref<16384x128xf32, #tpu.memory_space<hbm>> -> memref<512x32xf32, #tpu.memory_space<hbm>>
    %dma_wait3A_249 = arith.constant 0 : i32
    %dma_wait3A_250 = arith.constant 0 : i32
    %dma_wait3A_251 = tpu.memref_slice %arg14[%dma_wait3A_240, %dma_wait3A_249, %dma_wait3A_250] : memref<4x512x32xf32, #tpu.memory_space<vmem>> -> memref<1x512x32xf32, #tpu.memory_space<vmem>>
    %dma_wait3A_252 = tpu.memref_squeeze %dma_wait3A_251 : memref<1x512x32xf32, #tpu.memory_space<vmem>> -> memref<512x32xf32, #tpu.memory_space<vmem>>
    tpu.wait_dma2 semaphore(%arg21 : memref<!tpu.dma_semaphore, #tpu.memory_space<semaphore_mem>>) src(%dma_wait3A_252 : memref<512x32xf32, #tpu.memory_space<vmem>>) dst(%dma_wait3A_248 : memref<512x32xf32, #tpu.memory_space<hbm>>)
    %dma_wait3A_253 = arith.constant 3 : i32
    %dma_wait3A_254 = arith.constant 0 : i32
    %dma_wait3A_255 = arith.constant 0 : i32
    %dma_wait3A_256 = tpu.memref_slice %arg14[%dma_wait3A_253, %dma_wait3A_254, %dma_wait3A_255] : memref<4x512x32xf32, #tpu.memory_space<vmem>> -> memref<1x512x32xf32, #tpu.memory_space<vmem>>
    %dma_wait3A_257 = tpu.memref_squeeze %dma_wait3A_256 : memref<1x512x32xf32, #tpu.memory_space<vmem>> -> memref<512x32xf32, #tpu.memory_space<vmem>>
    %dma_wait3A_258 = arith.constant 96 : i32
    %dma_wait3A_259 = tpu.memref_slice %arg10[%mul3A_2, %dma_wait3A_258] : memref<16384x128xf32, #tpu.memory_space<hbm>> -> memref<512x32xf32, #tpu.memory_space<hbm>>
    %dma_wait3A_260 = arith.constant 96 : i32
    %dma_wait3A_261 = tpu.memref_slice %arg10[%mul3A_2, %dma_wait3A_260] : memref<16384x128xf32, #tpu.memory_space<hbm>> -> memref<512x32xf32, #tpu.memory_space<hbm>>
    %dma_wait3A_262 = arith.constant 0 : i32
    %dma_wait3A_263 = arith.constant 0 : i32
    %dma_wait3A_264 = tpu.memref_slice %arg14[%dma_wait3A_253, %dma_wait3A_262, %dma_wait3A_263] : memref<4x512x32xf32, #tpu.memory_space<vmem>> -> memref<1x512x32xf32, #tpu.memory_space<vmem>>
    %dma_wait3A_265 = tpu.memref_squeeze %dma_wait3A_264 : memref<1x512x32xf32, #tpu.memory_space<vmem>> -> memref<512x32xf32, #tpu.memory_space<vmem>>
    tpu.wait_dma2 semaphore(%arg21 : memref<!tpu.dma_semaphore, #tpu.memory_space<semaphore_mem>>) src(%dma_wait3A_265 : memref<512x32xf32, #tpu.memory_space<vmem>>) dst(%dma_wait3A_261 : memref<512x32xf32, #tpu.memory_space<hbm>>)
    return
  }
}

</mosaic_0001>

<sc_bundles>
// kernel: _run.3.cloned.1.call-start
scs
__scs_entry_jumppad:
0x0: {  	(pc) =	sbr.rel $0x88, $3  }
0x1: {  	(tag) =	ssettag $0x0;
	lr =	simm.s32 $0x1  }
0x2: {  	[smem:$0x3F99] =	sst lr;
	_ =	strace $0xD0000000  }
0x3: {  	_ = 	snop  }
0x4: {  	_ = 	snop  }
0x5: {  	_ = 	snop  }
0x6: {  	_ = 	snop  }
0x7: {  	_ = 	snop  }
__scs_overlays_trampoline_lowered:
0x8: {  	[smem:$0x3FA8] =	sst s0  }
0x9: {  	[smem:$0x3FA9] =	sst s1  }
0xa: {  	[smem:$0x3FAA] =	sst s2  }
0xb: {  	[smem:$0x3FAB] =	sst s3  }
0xc: {  	[smem:$0x3FAC] =	sst s4  }
0xd: {  	[smem:$0x3FAD] =	sst s5  }
0xe: {  	[smem:$0x3FAE] =	sst s6  }
0xf: {  	[smem:$0x3FAF] =	sst s7  }
0x10: {  	[smem:$0x3FB0] =	sst s8  }
0x11: {  	[smem:$0x3FB1] =	sst s9;
	s0 =	simm.s32 @!p0 $0x0  }
0x12: {  	s1 =	sld [smem:$0x3F97];
	s0 =	simm.s32 @p0 $0x1  }
0x13: {  	[smem:$0x3FB2] =	sst s0;
	s0 =	simm.s32 @!p1 $0x0  }
0x14: {  	s2 =	sld [smem:$0x3F96];
	s0 =	simm.s32 @p1 $0x1  }
0x15: {  	[smem:$0x3FB3] =	sst s0;
	s0 =	simm.s32 @!p2 $0x0  }
0x16: {  	s3 =	sld [smem:$0x3FDB];
	s0 =	simm.s32 @p2 $0x1  }
0x17: {  	s4 =	simm.s32 $0x1BF5;
	[smem:$0x3FB5] =	sst s0  }
0x18: {  	s0 =	sld [smem:$0x3F98];
	_ =	swait.ge [sflag:s4], $0x0  }
0x19: {  	s7 =	sld [smem:$0x3F99]  }
0x1a: {  	s8 =	sadd.s32 $0xFFFFE003, lr  }
0x1b: {  	s9 =	sadd.s32 $0xFFFFFEF7, lr;
	s5 =	simm.s32 $0xFFFFFFFF;
	p2 =	slt.u32 s8, $0xFFFFF086  }
0x1c: {  	p1 =	slt.u32 s9, $0xF7A;
	s5 =	simm.s32 @!p2 $0x0  }
0x1d: {  	s5 =	simm.s32 @p1 $0x1;
	p0 =	seq.s32 s7, s2  }
0x1e: {  	s7 =	smul.u32 @!p0 $0xF7A, s2;
	p2 =	seq.s32 @!p0 s5, $0x0  }
0x1f: {  	s9 =	smul.u32 $0xF7A, s1;
	s8 =	simm.s32 @!p0 $0x1BF5;
	p2 =	por !p2, p0  }
0x20: {  	[sflag:s8] =	ssyncset.s32 @!p0 $0xFFFFF086;
	s6 =	sadd.s32 @!p0 s3, s7;
	s7 =	simm.s32 @!p0 $0x108  }
0x21: {  	s3 =	sadd.s32 s3, s9;
	s6 =	sadd.s32 @!p0 $0x88, s6;
	s7 =	simm.s32 @p2 $0x1082  }
0x22: {  	[simem:s7], [sflag:s8] =	dma.local @!p0 [hbm:s6], $0xF7A  }
0x23: {  	s9 =	sor.u32 $0xD0000000, s2;
	s6 =	simm.s32 $0x108;
	_ =	swait.ge @!p0 [sflag:s8], $0x0  }
0x24: {  	s3 =	sadd.s32 $0x88, s3;
	s6 =	simm.s32 @!p1 $0x1082;
	[sflag:s4] =	ssyncset.s32 $0xFFFFF086  }
0x25: {  	[simem:s6], [sflag:s4] =	dma.local [hbm:s3], $0xF7A  }
0x26: {  	[smem:$0x3F99] =	sst s1;
	(tag) =	ssettag s2;
	_ =	strace s9  }
0x27: {  	s1 =	sld [smem:$0x3FA9]  }
0x28: {  	s2 =	sld [smem:$0x3FAA]  }
0x29: {  	s4 =	sld [smem:$0x3FAC]  }
0x2a: {  	p0 =	seq.s32 s5, $0x0;
	s5 =	sld [smem:$0x3FAD]  }
0x2b: {  	s6 =	sld [smem:$0x3FAE]  }
0x2c: {  	s7 =	sld [smem:$0x3FAF]  }
0x2d: {  	s3 =	simm.s32 $0x108;
	s8 =	sld [smem:$0x3FB0]  }
0x2e: {  	s3 =	simm.s32 @!p0 $0x1082;
	s9 =	sld [smem:$0x3FB1]  }
0x2f: {  	lr =	sadd.s32 s0, s3;
	s0 =	sld [smem:$0x3FA8]  }
0x30: {  	s3 =	sld [smem:$0x3FAB]  }
0x31: {  	[smem:$0x3FB4] =	sst s10  }
0x32: {  	s10 =	sld [smem:$0x3FB2];
	_ =	sdelay $0x3  }
0x33: {  	p0 =	seq.s32 s10, $0x1;
	s10 =	sld [smem:$0x3FB4];
	_ =	sdelay $0x3  }
0x34: {  	[smem:$0x3FB4] =	sst s10  }
0x35: {  	s10 =	sld [smem:$0x3FB3];
	_ =	sdelay $0x3  }
0x36: {  	p1 =	seq.s32 s10, $0x1;
	s10 =	sld [smem:$0x3FB4];
	_ =	sdelay $0x3  }
0x37: {  	[smem:$0x3FB4] =	sst s10  }
0x38: {  	s10 =	sld [smem:$0x3FB5]  }
0x39: {  	_ = 	snop;
	(pc) =	sbr.ind lr, $3  }
0x3a: {  	_ = 	snop  }
0x3b: {  	_ = 	snop  }
0x3c: {  	p2 =	seq.s32 s10, $0x1;
	s10 =	sld [smem:$0x3FB4]  }
0x3d: {  	_ =	shalt  }
0x3e: {  	_ =	shalt  }
0x3f: {  	_ =	shalt  }
0x40: {  	_ =	shalt  }
0x41: {  	_ =	shalt  }
0x42: {  	_ =	shalt  }
0x43: {  	_ =	shalt  }
0x44: {  	_ =	shalt  }
0x45: {  	_ =	shalt  }
0x46: {  	_ =	shalt  }
0x47: {  	_ =	shalt  }
0x48: {  	_ =	shalt  }
0x49: {  	_ =	shalt  }
0x4a: {  	_ =	shalt  }
0x4b: {  	_ =	shalt  }
0x4c: {  	_ =	shalt  }
0x4d: {  	_ =	shalt  }
0x4e: {  	_ =	shalt  }
0x4f: {  	_ =	shalt  }
0x50: {  	_ =	shalt  }
0x51: {  	_ =	shalt  }
0x52: {  	_ =	shalt  }
0x53: {  	_ =	shalt  }
0x54: {  	_ =	shalt  }
0x55: {  	_ =	shalt  }
0x56: {  	_ =	shalt  }
0x57: {  	_ =	shalt  }
0x58: {  	_ =	shalt  }
0x59: {  	_ =	shalt  }
0x5a: {  	_ =	shalt  }
0x5b: {  	_ =	shalt  }
0x5c: {  	_ =	shalt  }
0x5d: {  	_ =	shalt  }
0x5e: {  	_ =	shalt  }
0x5f: {  	_ =	shalt  }
0x60: {  	_ =	shalt  }
0x61: {  	_ =	shalt  }
0x62: {  	_ =	shalt  }
0x63: {  	_ =	shalt  }
0x64: {  	_ =	shalt  }
0x65: {  	_ =	shalt  }
0x66: {  	_ =	shalt  }
0x67: {  	_ =	shalt  }
0x68: {  	_ =	shalt  }
0x69: {  	_ =	shalt  }
0x6a: {  	_ =	shalt  }
0x6b: {  	_ =	shalt  }
0x6c: {  	_ =	shalt  }
0x6d: {  	_ =	shalt  }
0x6e: {  	_ =	shalt  }
0x6f: {  	_ =	shalt  }
0x70: {  	_ =	shalt  }
0x71: {  	_ =	shalt  }
0x72: {  	_ =	shalt  }
0x73: {  	_ =	shalt  }
0x74: {  	_ =	shalt  }
0x75: {  	_ =	shalt  }
0x76: {  	_ =	shalt  }
0x77: {  	_ =	shalt  }
0x78: {  	_ =	shalt  }
0x79: {  	_ =	shalt  }
0x7a: {  	_ =	shalt  }
0x7b: {  	_ =	shalt  }
0x7c: {  	_ =	shalt  }
0x7d: {  	_ =	shalt  }
0x7e: {  	_ =	shalt  }
0x7f: {  	_ =	shalt  }
0x80: {  	_ =	shalt  }
0x81: {  	_ =	shalt  }
0x82: {  	_ =	shalt  }
0x83: {  	_ =	shalt  }
0x84: {  	_ =	shalt  }
0x85: {  	_ =	shalt  }
0x86: {  	_ =	shalt  }
0x87: {  	_ =	shalt  }
.Lfunc_end0:
.L_simem_size_0:
called_computation_lowered:
.L_overlay_start_0:
0x88: {  	s2 =	sld [smem:$0x3FD9]  }
0x89: {  	s3 =	sld [smem:$0x3FFE];
	_ =	sdelay $0x1  }
0x8a: {  	s1 =	srdreg.scid  }
0x8b: {  	s0 =	sand.u32 $0x1, s1  }
0x8c: {  	s17 =	sshll.u32 s0, $0xA;
	s2 =	sadd.s32 s3, s2  }
0x8d: {  	s2 =	sadd.s32 s2, s17  }
0x8e: {  	[smem:$0x3FC0] =	sst s2  }
0x8f: {  	_ = 	snop  }
0x90: {  	s2 =	sld [smem:$0x3FC9]  }
0x91: {  	s18 =	sld [smem:$0x3FC8]  }
0x92: {  	s4 =	sld [smem:$0x3FC7]  }
0x93: {  	s5 =	sld [smem:$0x3FC6]  }
0x94: {  	s6 =	sld [smem:$0x3FC5]  }
0x95: {  	s7 =	sld [smem:$0x3FD0];
	(tm) =	ssettm $0x1  }
0x96: {  	s8 =	sld [smem:$0x3FFB];
	_ =	sdelay $0x3  }
0x97: {  	_ =	strace s8  }
0x98: {  	s8 =	sld [smem:$0x3FFC];
	_ =	sdelay $0x3  }
0x99: {  	_ =	strace s8  }
0x9a: {  	s8 =	sld [smem:$0x3FFD];
	_ =	sdelay $0x3  }
0x9b: {  	_ =	strace s8  }
0x9c: {  	_ =	strace $0x8FFFFFFF  }
0x9d: {  	s19 =	sld [smem:$0x3FDB];
	_ =	sdelay $0x1  }
0x9e: {  	s9 =	simm.s32 $_scs_section_size  }
0x9f: {  	s10 =	simm.s32 $_size__tile_overlayer_lowered;
	s11 =	simm.s32 $_tile_overlayer_lowered  }
0xa0: {  	s22 =	simm.s32 $0x1BFF;
	s21 =	sshll.u32 s11, $0x1;
	s8 =	sadd.s32 s9, s19  }
0xa1: {  	s12 =	simm.s32 $0x0;
	s20 =	sshll.u32 s10, $0x1;
	s10 =	sadd.s32 s21, s8  }
0xa2: {  	[timem:s12], [sflag:s22] =	dma.local [hbm:s10], s20  }
0xa3: {  	_ =	swait.ge [sflag:s22], s20  }
0xa4: {  	s9 =	ssub.s32 $0x0, s20;
	[sflag:s22] =	ssyncset.done $0x0  }
0xa5: {  	[sflag:s22] =	ssyncadd.s32 s9;
	_ =	sdelay $0x1  }
0xa6: {  	s23 =	simm.s32 $0x1B8B  }
0xa7: {  	_ =	swait.ge [sflag:s23], $0x1  }
0xa8: {  	[sflag:s23] =	ssyncset.done $0x0  }
0xa9: {  	s25 =	simm.s32 $0x1B8E;
	s24 =	sld [smem:$0x3FFE];
	[sflag:s23] =	ssyncadd.s32 $0xFFFFFFFF  }
0xaa: {  	s26 =	simm.s32 $execute0_lowered;
	[smem:$0x3FD2] =	sst s25  }
0xab: {  	s10 =	sshll.u32 s26, $0x1;
	_ =	strace $0x80000046;
	[dreg:$0x1] =	wrdreg $0xFFFFFFFF  }
0xac: {  	s28 =	simm.s32 $_size_execute0_lowered;
	s8 =	sadd.s32 s8, s10;
	[dreg:$0x0] =	wrdreg $0x0  }
0xad: {  	s10 =	sshll.u32 s28, $0x1;
	[dreg:$0x2] =	wrdreg s8  }
0xae: {  	[dreg:$0x3] =	wrdreg s10  }
0xaf: {  	[dreg:$0x4] =	wrdreg $0xC0  }
0xb0: {  	_ =	task [dreg:s12], $0x5FFFF  }
0xb1: {  	[dreg:$0x1] =	wrdreg $0xFFFFFFFF  }
0xb2: {  	[dreg:$0x0] =	wrdreg $0x60  }
0xb3: {  	[dreg:$0x2] =	wrdreg s2  }
0xb4: {  	[dreg:$0x3] =	wrdreg s18  }
0xb5: {  	[dreg:$0x4] =	wrdreg s4  }
0xb6: {  	[dreg:$0x5] =	wrdreg s5  }
0xb7: {  	[dreg:$0x6] =	wrdreg s6  }
0xb8: {  	[dreg:$0x7] =	wrdreg s24  }
0xb9: {  	[dreg:$0x8] =	wrdreg s7  }
0xba: {  	[dreg:$0x9] =	wrdreg $0x188000  }
0xbb: {  	[dreg:$0xa] =	wrdreg $0x188880  }
0xbc: {  	[dreg:$0xb] =	wrdreg $0x188980  }
0xbd: {  	[dreg:$0xc] =	wrdreg $0x9  }
0xbe: {  	_ =	task.clear_ibuf [dreg:s12], $0xDFFFF;
	_ =	strace $0x90000046  }
0xbf: {  	s29 =	simm.s32 $0x9;
	_ =	strace $0x80000048  }
0xc0: {  	_ =	swait.ge [sflag:s29], $0x1  }
0xc1: {  	[sflag:s29] =	ssyncadd.s32 $0xFFFFFFFF  }
0xc2: {  	_ =	strace $0x90000048  }
0xc3: {  	_ =	sfence  }
0xc4: {  	s30 =	sld [smem:$0x0];
	_ =	sdelay $0x2  }
0xc5: {  	s31 =	sshll.u32 s1, $0xD;
	s1 =	sshrl.u32 s1, $0x2  }
0xc6: {  	s3 =	sand.u32 $0x4000, s31;
	s1 =	sadd.s32 s1, s30  }
0xc7: {  	s0 =	sor.u32 s3, s0;
	s1 =	sshll.u32 s1, $0x11  }
0xc8: {  	s0 =	sor.u32 s1, s0  }
0xc9: {  	s0 =	sadd.s32 $0x8F2B, s0  }
0xca: {  	[sflag:s0] =	ssyncadd.remote.s32 $0x1  }
0xcb: {  	_ =	sfence.sel $0xFFFF  }
0xcc: {  	[dreg:$0x0] =	wrdreg $0xFFFFFFFF;
	(pc) =	sbr.abs _section_cstart, $3  }
0xcd: {  	[dreg:$0x1] =	wrdreg $0xFFFFFFFF  }
0xce: {  	_ =	task.clear_ibuf [dreg:s12], $0x2FFFF;
	_ =	strace $0x9FFFFFFF  }
0xcf: {  	(tm) =	ssettm $0x7FFFFFFF  }
tec
execute0_lowered:
.L_overlay_start_1:
0x0: {  	(tag) =	ssettag $0x1  }
0x1: {  	s1 =	rddreg [dreg:$0x0]  }
0x2: {  	s2 =	rddreg [dreg:$0x1]  }
0x3: {  	s3 =	rddreg [dreg:$0x2]  }
0x4: {  	s4 =	rddreg [dreg:$0x3]  }
0x5: {  	s0 =	rddreg [dreg:$0x4]  }
0x6: {  	s6 =	rddreg [dreg:$0x5]  }
0x7: {  	s7 =	rddreg [dreg:$0x6];
	s5 =	simm.s32 $0x0  }
0x8: {  	s8 =	srdreg.scid;
	s9 =	stileid.u32;
	s18 =	simm.s32 $0x200  }
0x9: {  	v0 =	vlaneseq.u32;
	s19 =	simm.s32 $0x400;
	s20 =	simm.s32 $0x600;
	s21 =	simm.s32 $0x1  }
0xa: {  	s22 =	simm.s32 $0x800;
	s23 =	simm.s32 $0xC800;
	s28 =	simm.s32 $0x3;
	v0 =	vmul.u32 $0x20, v0  }
0xb: {  	s29 =	simm.s32 $0x20;
	s30 =	simm.s32 $0x80;
	s31 =	simm.s32 $0x0  }
0xc: {  	[smem:$0x7FF] =	sst s5;
	s8 =	sand.u32 $0x1, s8;
	s10 =	sadd.s32 $0x800, s6;
	v1 =	vor.u32 $0x1, v0  }
0xd: {  	s24 =	sshll.u32 s9, $0xA;
	s12 =	sadd.s32 $0x400, s6;
	s6 =	sadd.s32 $0x600, s6;
	v2 =	vor.u32 $0x2, v0;
	v3 =	vor.u32 $0x3, v0;
	v4 =	vor.u32 $0x4, v0  }
0xe: {  	p0 =	sne.s32 s9, $0x0;
	_ =	strace $0x80000047;
	[dreg:$0xb] =	wrdreg s10;
	v5 =	vor.u32 $0x5, v0;
	v6 =	vor.u32 $0x6, v0;
	v7 =	vor.u32 $0x7, v0  }
0xf: {  	s11 =	sshll.u32 s8, $0x9;
	[dreg:$0xc] =	wrdreg s12;
	s8 =	ssub.s32 $0x2, s8;
	v8 =	vor.u32 $0x8, v0;
	v9 =	vor.u32 $0x9, v0;
	v10 =	vor.u32 $0xA, v0  }
0x10: {  	[dreg:$0xd] =	wrdreg s6;
	s10 =	sor.u32 s11, s24;
	s25 =	sshrl.u32 s8, $0x1;
	v11 =	vor.u32 $0xB, v0;
	v12 =	vor.u32 $0xC, v0;
	v13 =	vor.u32 $0xD, v0  }
0x11: {  	v14 =	vor.u32 $0xE, v0;
	v15 =	vor.u32 $0xF, v0;
	v16 =	vor.u32 $0x10, v0;
	s24 =	simm.s32 $0x10800;
	s13 =	sshrl.u32 s10, $0x3;
	s6 =	ssub.s32 s8, s25  }
0x12: {  	v17 =	vor.u32 $0x11, v0;
	v18 =	vor.u32 $0x12, v0;
	v19 =	vor.u32 $0x13, v0;
	s26 =	sshll.u32 s10, $0x4;
	s25 =	simm.s32 $0x14800;
	s1 =	sadd.s32 s1, s13  }
0x13: {  	v20 =	vor.u32 $0x14, v0;
	v21 =	vor.u32 $0x15, v0;
	v22 =	vor.u32 $0x16, v0;
	s2 =	sadd.s32 s2, s13;
	s11 =	sadd.s32 s3, s13;
	s12 =	sadd.s32 s7, s26  }
0x14: {  	v23 =	vor.u32 $0x17, v0;
	v24 =	vor.u32 $0x18, v0;
	v25 =	vor.u32 $0x19, v0;
	s13 =	sadd.s32 s4, s13;
	s17 =	smax.u32 s6, $0x1;
	[dreg:$0xe] =	wrdreg s1  }
0x15: {  	v26 =	vor.u32 $0x1A, v0;
	v27 =	vor.u32 $0x1B, v0;
	v28 =	vor.u32 $0x1C, v0;
	s26 =	simm.s32 $0x2;
	[dreg:$0xf] =	wrdreg s2;
	s14 =	sadd.s32 $0x4, s12  }
0x16: {  	v29 =	vor.u32 $0x1D, v0;
	v30 =	vor.u32 $0x1E, v0;
	v31 =	vor.u32 $0x1F, v0;
	s15 =	sadd.s32 $0x8, s12;
	s16 =	sadd.s32 $0xC, s12;
	s1 =	simm.s32 $0x4  }
.LBB2_1:
0x17: {  	s2 =	rddreg [dreg:$0xe]  }
0x18: {  	[tilespmem:s5], [sflag:$0x1] =	stream.linear.gather [hbm4b:s2+s5], $0x200, $0x38;
	[tilespmem:$0x188A8] =	vst v63  }
0x19: {  	s9 =	rddreg [dreg:$0xf]  }
0x1a: {  	[tilespmem:s18], [sflag:$0x1] =	stream.linear.gather [hbm4b:s9+s5], $0x200, $0x38;
	[tilespmem:$0x188A8] =	vst v63  }
0x1b: {  	_ = 	snop  }
0x1c: {  	[tilespmem:s19], [sflag:$0x1] =	stream.linear.gather [hbm4b:s11+s5], $0x200, $0x38;
	[tilespmem:$0x188A8] =	vst v63  }
0x1d: {  	_ = 	snop  }
0x1e: {  	[tilespmem:s20], [sflag:$0x1] =	stream.linear.gather [hbm4b:s13+s5], $0x200, $0x38;
	[tilespmem:$0x188A8] =	vst v63  }
0x1f: {  	_ =	swait.ge [sflag:s21], $0x200  }
0x20: {  	[sflag:s21] =	ssyncset.done $0x0  }
0x21: {  	s10 =	simm.s32 $0x0;
	[sflag:s21] =	ssyncadd.s32 $0xFFFFFE00  }
0x22: {  	v33 =	vor.u32 s10, v0;
	v32 =	vld [tilespmem:s5+$0x0]  }
0x23: {  	v34 =	vor.u32 s10, v1  }
0x24: {  	v35 =	vor.u32 s10, v2  }
0x25: {  	v36 =	vor.u32 s10, v3  }
0x26: {  	v37 =	vor.u32 s10, v4  }
0x27: {  	v38 =	vor.u32 s10, v5;
	[tilespmem:v33+s22+$0x0] =	vst.idx.msk $0xffff, v32;
	v57 =	vadd.s32 $0x186A1, v32  }
0x28: {  	v59 =	vor.u32 s10, v6;
	v58 =	vadd.s32 $0x30D42, v32;
	[tilespmem:v34+s22+$0x0] =	vst.idx.msk $0xffff, v57  }
0x29: {  	v61 =	vor.u32 s10, v7;
	v60 =	vadd.s32 $0x493E3, v32;
	[tilespmem:v35+s22+$0x0] =	vst.idx.msk $0xffff, v58  }
0x2a: {  	v63 =	vor.u32 s10, v8;
	v62 =	vadd.s32 $0x61A84, v32;
	[tilespmem:v36+s22+$0x0] =	vst.idx.msk $0xffff, v60  }
0x2b: {  	v41 =	vor.u32 s10, v9;
	v40 =	vadd.s32 $0x7A125, v32;
	[tilespmem:v37+s22+$0x0] =	vst.idx.msk $0xffff, v62  }
0x2c: {  	v43 =	vor.u32 s10, v10;
	v42 =	vadd.s32 $0x927C6, v32;
	[tilespmem:v38+s22+$0x0] =	vst.idx.msk $0xffff, v40  }
0x2d: {  	v45 =	vor.u32 s10, v11;
	v44 =	vadd.s32 $0xAAE67, v32;
	[tilespmem:v59+s22+$0x0] =	vst.idx.msk $0xffff, v42  }
0x2e: {  	v47 =	vor.u32 s10, v12;
	v46 =	vadd.s32 $0xC3508, v32;
	[tilespmem:v61+s22+$0x0] =	vst.idx.msk $0xffff, v44  }
0x2f: {  	v49 =	vor.u32 s10, v13;
	v48 =	vadd.s32 $0xDBBA9, v32;
	[tilespmem:v63+s22+$0x0] =	vst.idx.msk $0xffff, v46  }
0x30: {  	v51 =	vor.u32 s10, v14;
	v50 =	vadd.s32 $0xF424A, v32;
	[tilespmem:v41+s22+$0x0] =	vst.idx.msk $0xffff, v48  }
0x31: {  	v53 =	vor.u32 s10, v15;
	v52 =	vadd.s32 $0x10C8EB, v32;
	[tilespmem:v43+s22+$0x0] =	vst.idx.msk $0xffff, v50  }
0x32: {  	v55 =	vor.u32 s10, v16;
	v54 =	vadd.s32 $0x124F8C, v32;
	[tilespmem:v45+s22+$0x0] =	vst.idx.msk $0xffff, v52  }
0x33: {  	v56 =	vadd.s32 $0x13D62D, v32;
	v57 =	vor.u32 s10, v17;
	[tilespmem:v47+s22+$0x0] =	vst.idx.msk $0xffff, v54  }
0x34: {  	v58 =	vadd.s32 $0x155CCE, v32;
	v59 =	vor.u32 s10, v18;
	[tilespmem:v49+s22+$0x0] =	vst.idx.msk $0xffff, v56  }
0x35: {  	v60 =	vadd.s32 $0x16E36F, v32;
	v61 =	vor.u32 s10, v19;
	[tilespmem:v51+s22+$0x0] =	vst.idx.msk $0xffff, v58  }
0x36: {  	v62 =	vadd.s32 $0x186A10, v32;
	v63 =	vor.u32 s10, v20;
	[tilespmem:v53+s22+$0x0] =	vst.idx.msk $0xffff, v60  }
0x37: {  	v39 =	vadd.s32 $0x19F0B1, v32;
	v40 =	vor.u32 s10, v21;
	[tilespmem:v55+s22+$0x0] =	vst.idx.msk $0xffff, v62  }
0x38: {  	v42 =	vor.u32 s10, v22;
	v41 =	vadd.s32 $0x1B7752, v32;
	[tilespmem:v57+s22+$0x0] =	vst.idx.msk $0xffff, v39  }
0x39: {  	v44 =	vor.u32 s10, v23;
	v43 =	vadd.s32 $0x1CFDF3, v32;
	[tilespmem:v59+s22+$0x0] =	vst.idx.msk $0xffff, v41  }
0x3a: {  	v46 =	vor.u32 s10, v24;
	v45 =	vadd.s32 $0x1E8494, v32;
	[tilespmem:v61+s22+$0x0] =	vst.idx.msk $0xffff, v43  }
0x3b: {  	v48 =	vor.u32 s10, v25;
	v47 =	vadd.s32 $0x200B35, v32;
	[tilespmem:v63+s22+$0x0] =	vst.idx.msk $0xffff, v45  }
0x3c: {  	v50 =	vor.u32 s10, v26;
	v49 =	vadd.s32 $0x2191D6, v32;
	[tilespmem:v40+s22+$0x0] =	vst.idx.msk $0xffff, v47  }
0x3d: {  	v52 =	vor.u32 s10, v27;
	v51 =	vadd.s32 $0x231877, v32;
	[tilespmem:v42+s22+$0x0] =	vst.idx.msk $0xffff, v49  }
0x3e: {  	v54 =	vor.u32 s10, v28;
	v53 =	vadd.s32 $0x249F18, v32;
	[tilespmem:v44+s22+$0x0] =	vst.idx.msk $0xffff, v51  }
0x3f: {  	v56 =	vor.u32 s10, v29;
	v55 =	vadd.s32 $0x2625B9, v32;
	[tilespmem:v46+s22+$0x0] =	vst.idx.msk $0xffff, v53  }
0x40: {  	v58 =	vor.u32 s10, v30;
	v57 =	vadd.s32 $0x27AC5A, v32;
	[tilespmem:v48+s22+$0x0] =	vst.idx.msk $0xffff, v55  }
0x41: {  	v60 =	vor.u32 s10, v31;
	v59 =	vadd.s32 $0x2932FB, v32;
	[tilespmem:v50+s22+$0x0] =	vst.idx.msk $0xffff, v57  }
0x42: {  	v61 =	vadd.s32 $0x2AB99C, v32;
	[tilespmem:v52+s22+$0x0] =	vst.idx.msk $0xffff, v59  }
0x43: {  	v62 =	vadd.s32 $0x2C403D, v32;
	[tilespmem:v54+s22+$0x0] =	vst.idx.msk $0xffff, v61  }
0x44: {  	s7 =	simm.s32 $0x4800;
	v63 =	vadd.s32 $0x2DC6DE, v32;
	[tilespmem:v56+s22+$0x0] =	vst.idx.msk $0xffff, v62  }
0x45: {  	s4 =	simm.s32 $0x200;
	s6 =	simm.s32 $0x2;
	s3 =	simm.s32 $0xA00;
	v32 =	vadd.s32 $0x2F4D7F, v32;
	[tilespmem:v58+s22+$0x0] =	vst.idx.msk $0xffff, v63  }
0x46: {  	s8 =	simm.s32 $0x10;
	s2 =	simm.s32 $0x4A00;
	s9 =	simm.s32 $0x800;
	[tilespmem:v60+s22+$0x0] =	vst.idx.msk $0xffff, v32  }
.LBB2_2:
0x47: {  	[tilespmem:s7], [sflag:$0x2] =	stream.indirect.gather [hbm4b:s0+s18], $0x1, s9, s18, $0xb8;
	[tilespmem:$0x188A8] =	vst v63  }
0x48: {  	s10 =	sshll.u32 s6, $0x9;
	p1 =	sne.s32 s6, $0x1F;
	s6 =	sadd.s32 $0x1, s6;
	v33 =	vor.u32 s4, v0;
	v32 =	vld [tilespmem:s8+$0x0]  }
0x49: {  	v34 =	vor.u32 s4, v1;
	s7 =	smov.u32 s2;
	s9 =	smov.u32 s3  }
0x4a: {  	v35 =	vor.u32 s4, v2  }
0x4b: {  	v36 =	vor.u32 s4, v3  }
0x4c: {  	v37 =	vor.u32 s4, v4  }
0x4d: {  	v38 =	vor.u32 s4, v5;
	[tilespmem:v33+s22+$0x0] =	vst.idx.msk $0xffff, v32;
	v33 =	vadd.s32 $0x186A1, v32  }
0x4e: {  	[tilespmem:v34+s22+$0x0] =	vst.idx.msk $0xffff, v33;
	v33 =	vadd.s32 $0x30D42, v32;
	v34 =	vor.u32 s4, v6  }
0x4f: {  	[tilespmem:v35+s22+$0x0] =	vst.idx.msk $0xffff, v33;
	v33 =	vadd.s32 $0x493E3, v32;
	v35 =	vor.u32 s4, v7  }
0x50: {  	[tilespmem:v36+s22+$0x0] =	vst.idx.msk $0xffff, v33;
	v33 =	vadd.s32 $0x61A84, v32;
	v36 =	vor.u32 s4, v8  }
0x51: {  	[tilespmem:v37+s22+$0x0] =	vst.idx.msk $0xffff, v33;
	v33 =	vadd.s32 $0x7A125, v32;
	v37 =	vor.u32 s4, v9  }
0x52: {  	[tilespmem:v38+s22+$0x0] =	vst.idx.msk $0xffff, v33;
	v33 =	vadd.s32 $0x927C6, v32;
	v38 =	vor.u32 s4, v10  }
0x53: {  	[tilespmem:v34+s22+$0x0] =	vst.idx.msk $0xffff, v33;
	v33 =	vadd.s32 $0xAAE67, v32;
	v34 =	vor.u32 s4, v11  }
0x54: {  	[tilespmem:v35+s22+$0x0] =	vst.idx.msk $0xffff, v33;
	v33 =	vadd.s32 $0xC3508, v32;
	v35 =	vor.u32 s4, v12  }
0x55: {  	[tilespmem:v36+s22+$0x0] =	vst.idx.msk $0xffff, v33;
	v33 =	vadd.s32 $0xDBBA9, v32;
	v36 =	vor.u32 s4, v13  }
0x56: {  	[tilespmem:v37+s22+$0x0] =	vst.idx.msk $0xffff, v33;
	v33 =	vadd.s32 $0xF424A, v32;
	v37 =	vor.u32 s4, v14  }
0x57: {  	[tilespmem:v38+s22+$0x0] =	vst.idx.msk $0xffff, v33;
	v33 =	vadd.s32 $0x10C8EB, v32;
	v38 =	vor.u32 s4, v15  }
0x58: {  	[tilespmem:v34+s22+$0x0] =	vst.idx.msk $0xffff, v33;
	v33 =	vadd.s32 $0x124F8C, v32;
	v34 =	vor.u32 s4, v16  }
0x59: {  	[tilespmem:v35+s22+$0x0] =	vst.idx.msk $0xffff, v33;
	v33 =	vadd.s32 $0x13D62D, v32;
	v35 =	vor.u32 s4, v17  }
0x5a: {  	[tilespmem:v36+s22+$0x0] =	vst.idx.msk $0xffff, v33;
	v33 =	vadd.s32 $0x155CCE, v32;
	v36 =	vor.u32 s4, v18  }
0x5b: {  	[tilespmem:v37+s22+$0x0] =	vst.idx.msk $0xffff, v33;
	v33 =	vadd.s32 $0x16E36F, v32;
	v37 =	vor.u32 s4, v19  }
0x5c: {  	[tilespmem:v38+s22+$0x0] =	vst.idx.msk $0xffff, v33;
	v33 =	vadd.s32 $0x186A10, v32;
	v38 =	vor.u32 s4, v20  }
0x5d: {  	[tilespmem:v34+s22+$0x0] =	vst.idx.msk $0xffff, v33;
	v33 =	vadd.s32 $0x19F0B1, v32;
	v34 =	vor.u32 s4, v21  }
0x5e: {  	[tilespmem:v35+s22+$0x0] =	vst.idx.msk $0xffff, v33;
	v33 =	vadd.s32 $0x1B7752, v32;
	v35 =	vor.u32 s4, v22  }
0x5f: {  	[tilespmem:v36+s22+$0x0] =	vst.idx.msk $0xffff, v33;
	v33 =	vadd.s32 $0x1CFDF3, v32;
	v36 =	vor.u32 s4, v23  }
0x60: {  	[tilespmem:v37+s22+$0x0] =	vst.idx.msk $0xffff, v33;
	v33 =	vadd.s32 $0x1E8494, v32;
	v37 =	vor.u32 s4, v24  }
0x61: {  	[tilespmem:v38+s22+$0x0] =	vst.idx.msk $0xffff, v33;
	v33 =	vadd.s32 $0x200B35, v32;
	v38 =	vor.u32 s4, v25  }
0x62: {  	[tilespmem:v34+s22+$0x0] =	vst.idx.msk $0xffff, v33;
	v33 =	vadd.s32 $0x2191D6, v32;
	v34 =	vor.u32 s4, v26  }
0x63: {  	[tilespmem:v35+s22+$0x0] =	vst.idx.msk $0xffff, v33;
	v33 =	vadd.s32 $0x231877, v32;
	v35 =	vor.u32 s4, v27  }
0x64: {  	[tilespmem:v36+s22+$0x0] =	vst.idx.msk $0xffff, v33;
	v33 =	vadd.s32 $0x249F18, v32;
	v36 =	vor.u32 s4, v28  }
0x65: {  	[tilespmem:v37+s22+$0x0] =	vst.idx.msk $0xffff, v33;
	v33 =	vadd.s32 $0x2625B9, v32;
	v37 =	vor.u32 s4, v29  }
0x66: {  	[tilespmem:v38+s22+$0x0] =	vst.idx.msk $0xffff, v33;
	v33 =	vadd.s32 $0x27AC5A, v32;
	v38 =	vor.u32 s4, v30  }
0x67: {  	[tilespmem:v34+s22+$0x0] =	vst.idx.msk $0xffff, v33;
	v33 =	vadd.s32 $0x2932FB, v32;
	v34 =	vor.u32 s4, v31;
	s4 =	smov.u32 s10  }
.Ltmp0:
0x68: {  	[tilespmem:v35+s22+$0x0] =	vst.idx.msk $0xffff, v33;
	v33 =	vadd.s32 $0x2AB99C, v32;
	(pc) =	sbr.rel @p1 .LBB2_2-.Ltmp0, $4  }
0x69: {  	[tilespmem:v36+s22+$0x0] =	vst.idx.msk $0xffff, v33;
	v33 =	vadd.s32 $0x2C403D, v32  }
0x6a: {  	[tilespmem:v37+s22+$0x0] =	vst.idx.msk $0xffff, v33;
	v33 =	vadd.s32 $0x2DC6DE, v32  }
0x6b: {  	v32 =	vadd.s32 $0x2F4D7F, v32;
	[tilespmem:v38+s22+$0x0] =	vst.idx.msk $0xffff, v33  }
0x6c: {  	s2 =	sadd.s32 $0x200, s2;
	s3 =	sadd.s32 $0x200, s3;
	s8 =	sadd.s32 $0x10, s8;
	[tilespmem:v34+s22+$0x0] =	vst.idx.msk $0xffff, v32  }
0x6d: {  	[tilespmem:s7], [sflag:$0x2] =	stream.indirect.gather [hbm4b:s0+s18], $0x1, s9, s18, $0xb8;
	[tilespmem:$0x188A8] =	vst v63  }
0x6e: {  	v33 =	vor.u32 s4, v0;
	v32 =	vld [tilespmem:s8+$0x0]  }
0x6f: {  	v34 =	vor.u32 s4, v1  }
0x70: {  	v35 =	vor.u32 s4, v2  }
0x71: {  	v36 =	vor.u32 s4, v3  }
0x72: {  	v37 =	vor.u32 s4, v4  }
0x73: {  	v38 =	vor.u32 s4, v5;
	[tilespmem:v33+s22+$0x0] =	vst.idx.msk $0xffff, v32;
	v53 =	vadd.s32 $0x186A1, v32  }
0x74: {  	v55 =	vor.u32 s4, v6;
	v54 =	vadd.s32 $0x30D42, v32;
	[tilespmem:v34+s22+$0x0] =	vst.idx.msk $0xffff, v53  }
0x75: {  	v57 =	vor.u32 s4, v7;
	v56 =	vadd.s32 $0x493E3, v32;
	[tilespmem:v35+s22+$0x0] =	vst.idx.msk $0xffff, v54  }
0x76: {  	v59 =	vor.u32 s4, v8;
	v58 =	vadd.s32 $0x61A84, v32;
	[tilespmem:v36+s22+$0x0] =	vst.idx.msk $0xffff, v56  }
0x77: {  	v61 =	vor.u32 s4, v9;
	v60 =	vadd.s32 $0x7A125, v32;
	[tilespmem:v37+s22+$0x0] =	vst.idx.msk $0xffff, v58  }
0x78: {  	v63 =	vor.u32 s4, v10;
	v62 =	vadd.s32 $0x927C6, v32;
	[tilespmem:v38+s22+$0x0] =	vst.idx.msk $0xffff, v60  }
0x79: {  	v41 =	vor.u32 s4, v11;
	v40 =	vadd.s32 $0xAAE67, v32;
	[tilespmem:v55+s22+$0x0] =	vst.idx.msk $0xffff, v62  }
0x7a: {  	v43 =	vor.u32 s4, v12;
	v42 =	vadd.s32 $0xC3508, v32;
	[tilespmem:v57+s22+$0x0] =	vst.idx.msk $0xffff, v40  }
0x7b: {  	v45 =	vor.u32 s4, v13;
	v44 =	vadd.s32 $0xDBBA9, v32;
	[tilespmem:v59+s22+$0x0] =	vst.idx.msk $0xffff, v42  }
0x7c: {  	v47 =	vor.u32 s4, v14;
	v46 =	vadd.s32 $0xF424A, v32;
	[tilespmem:v61+s22+$0x0] =	vst.idx.msk $0xffff, v44  }
0x7d: {  	v49 =	vor.u32 s4, v15;
	v48 =	vadd.s32 $0x10C8EB, v32;
	[tilespmem:v63+s22+$0x0] =	vst.idx.msk $0xffff, v46  }
0x7e: {  	v51 =	vor.u32 s4, v16;
	v50 =	vadd.s32 $0x124F8C, v32;
	[tilespmem:v41+s22+$0x0] =	vst.idx.msk $0xffff, v48  }
0x7f: {  	v52 =	vadd.s32 $0x13D62D, v32;
	v53 =	vor.u32 s4, v17;
	[tilespmem:v43+s22+$0x0] =	vst.idx.msk $0xffff, v50  }
0x80: {  	v54 =	vadd.s32 $0x155CCE, v32;
	v55 =	vor.u32 s4, v18;
	[tilespmem:v45+s22+$0x0] =	vst.idx.msk $0xffff, v52  }
0x81: {  	v56 =	vadd.s32 $0x16E36F, v32;
	v57 =	vor.u32 s4, v19;
	[tilespmem:v47+s22+$0x0] =	vst.idx.msk $0xffff, v54  }
0x82: {  	v58 =	vadd.s32 $0x186A10, v32;
	v59 =	vor.u32 s4, v20;
	[tilespmem:v49+s22+$0x0] =	vst.idx.msk $0xffff, v56  }
0x83: {  	v60 =	vadd.s32 $0x19F0B1, v32;
	v61 =	vor.u32 s4, v21;
	[tilespmem:v51+s22+$0x0] =	vst.idx.msk $0xffff, v58  }
0x84: {  	v62 =	vadd.s32 $0x1B7752, v32;
	v63 =	vor.u32 s4, v22;
	[tilespmem:v53+s22+$0x0] =	vst.idx.msk $0xffff, v60  }
0x85: {  	v40 =	vadd.s32 $0x1CFDF3, v32;
	v41 =	vor.u32 s4, v23;
	[tilespmem:v55+s22+$0x0] =	vst.idx.msk $0xffff, v62  }
0x86: {  	v42 =	vadd.s32 $0x1E8494, v32;
	v43 =	vor.u32 s4, v24;
	[tilespmem:v57+s22+$0x0] =	vst.idx.msk $0xffff, v40  }
0x87: {  	v44 =	vadd.s32 $0x200B35, v32;
	v45 =	vor.u32 s4, v25;
	[tilespmem:v59+s22+$0x0] =	vst.idx.msk $0xffff, v42  }
0x88: {  	v46 =	vadd.s32 $0x2191D6, v32;
	v47 =	vor.u32 s4, v26;
	[tilespmem:v61+s22+$0x0] =	vst.idx.msk $0xffff, v44  }
0x89: {  	v48 =	vadd.s32 $0x231877, v32;
	v49 =	vor.u32 s4, v27;
	[tilespmem:v63+s22+$0x0] =	vst.idx.msk $0xffff, v46  }
0x8a: {  	v50 =	vadd.s32 $0x249F18, v32;
	v51 =	vor.u32 s4, v28;
	[tilespmem:v41+s22+$0x0] =	vst.idx.msk $0xffff, v48  }
0x8b: {  	v52 =	vadd.s32 $0x2625B9, v32;
	v53 =	vor.u32 s4, v29;
	[tilespmem:v43+s22+$0x0] =	vst.idx.msk $0xffff, v50  }
0x8c: {  	v54 =	vadd.s32 $0x27AC5A, v32;
	v55 =	vor.u32 s4, v30;
	[tilespmem:v45+s22+$0x0] =	vst.idx.msk $0xffff, v52  }
0x8d: {  	v56 =	vadd.s32 $0x2932FB, v32;
	v57 =	vor.u32 s4, v31;
	[tilespmem:v47+s22+$0x0] =	vst.idx.msk $0xffff, v54  }
0x8e: {  	v58 =	vadd.s32 $0x2AB99C, v32;
	[tilespmem:v49+s22+$0x0] =	vst.idx.msk $0xffff, v56  }
0x8f: {  	v59 =	vadd.s32 $0x2C403D, v32;
	[tilespmem:v51+s22+$0x0] =	vst.idx.msk $0xffff, v58  }
0x90: {  	v60 =	vadd.s32 $0x2DC6DE, v32;
	[tilespmem:v53+s22+$0x0] =	vst.idx.msk $0xffff, v59  }
0x91: {  	v32 =	vadd.s32 $0x2F4D7F, v32;
	[tilespmem:v55+s22+$0x0] =	vst.idx.msk $0xffff, v60  }
0x92: {  	s6 =	rddreg [dreg:$0x7];
	[tilespmem:v57+s22+$0x0] =	vst.idx.msk $0xffff, v32  }
0x93: {  	[tilespmem:s2], [sflag:$0x2] =	stream.indirect.gather [hbm4b:s0+s18], $0x1, s3, s18, $0xb8;
	[tilespmem:$0x188A8] =	vst v63  }
0x94: {  	s4 =	rddreg [dreg:$0xb];
	s2 =	sshrl.u32 @!p0 s6, $0x3;
	s3 =	simm.s32 @!p0 $0x1C05  }
0x95: {  	[spmem:s2], [sflag:s3] =	dma.local @!p0 [hbm:s4], $0x104  }
0x96: {  	s2 =	simm.s32 @!p0 $0x5  }
0x97: {  	_ =	swait.ge @!p0 [sflag:s2], $0x104  }
0x98: {  	[sflag:s2] =	ssyncset.done @!p0 $0x0  }
0x99: {  	[sflag:s2] =	ssyncadd.s32 @!p0 $0xFFFFFEFC  }
0x9a: {  	s7 =	rddreg [dreg:$0x8]  }
0x9b: {  	s8 =	rddreg [dreg:$0xc];
	s4 =	sshrl.u32 @!p0 s7, $0x3  }
0x9c: {  	[spmem:s4], [sflag:s3] =	dma.local @!p0 [hbm:s8], $0x18  }
0x9d: {  	_ =	swait.ge @!p0 [sflag:s2], $0x18  }
0x9e: {  	[sflag:s2] =	ssyncset.done @!p0 $0x0  }
0x9f: {  	[sflag:s2] =	ssyncadd.s32 @!p0 $0xFFFFFFE8  }
0xa0: {  	s8 =	rddreg [dreg:$0x9]  }
0xa1: {  	s9 =	rddreg [dreg:$0xd];
	s4 =	sshrl.u32 @!p0 s8, $0x3  }
0xa2: {  	[spmem:s4], [sflag:s3] =	dma.local @!p0 [hbm:s9], $0x18  }
0xa3: {  	_ =	swait.ge @!p0 [sflag:s2], $0x18  }
0xa4: {  	[sflag:s2] =	ssyncset.done @!p0 $0x0  }
0xa5: {  	[sflag:s2] =	ssyncadd.s32 @!p0 $0xFFFFFFE8  }
0xa6: {  	[bflag:$0x0] =	sbarrier.arrive $0xFFFF  }
0xa7: {  	_ =	swait.ge [sflag:s21], $0x200  }
0xa8: {  	[sflag:s21] =	ssyncset.done $0x0  }
0xa9: {  	[sflag:s21] =	ssyncadd.s32 $0xFFFFFE00  }
0xaa: {  	[tilespmem:s23], [sflag:$0x3] =	stream.indirect.gather [spmem:s6], $0x20, s18, s18, $0xb8;
	[tilespmem:$0x188A8] =	vst v63  }
0xab: {  	_ =	swait.ge [sflag:s21], $0x200  }
0xac: {  	[sflag:s21] =	ssyncset.done $0x0  }
0xad: {  	[sflag:s21] =	ssyncadd.s32 $0xFFFFFE00  }
0xae: {  	[tilespmem:s24], [sflag:$0x3] =	stream.indirect.gather [spmem:s7], $0x20, s19, s18, $0xb8;
	[tilespmem:$0x188A8] =	vst v63  }
0xaf: {  	_ =	swait.ge [sflag:s21], $0x200  }
0xb0: {  	[sflag:s21] =	ssyncset.done $0x0  }
0xb1: {  	[sflag:s21] =	ssyncadd.s32 $0xFFFFFE00  }
0xb2: {  	[tilespmem:s25], [sflag:$0x3] =	stream.indirect.gather [spmem:s8], $0x20, s20, s18, $0xb8;
	[tilespmem:$0x188A8] =	vst v63  }
0xb3: {  	_ =	swait.ge [sflag:s26], $0x4000  }
0xb4: {  	[sflag:s26] =	ssyncset.done $0x0  }
0xb5: {  	s2 =	simm.s32 $0x0;
	[sflag:s26] =	ssyncadd.s32 $0xFFFFC000  }
0xb6: {  	v61 =	vld [tilespmem:s2+$0x4870]  }
0xb7: {  	v62 =	vld [tilespmem:s2+$0x4800]  }
0xb8: {  	v63 =	vld [tilespmem:s2+$0x4810]  }
0xb9: {  	v34 =	vld [tilespmem:s2+$0x4820]  }
0xba: {  	v32 =	vld [tilespmem:s2+$0x4830]  }
0xbb: {  	v33 =	vld [tilespmem:s2+$0x4840];
	[tilespmem:s2+$0x8870] =	vst v61  }
0xbc: {  	v35 =	vld [tilespmem:s2+$0x4850];
	[tilespmem:s2+$0x8800] =	vst v62  }
0xbd: {  	s3 =	simm.s32 $0x80;
	s4 =	simm.s32 $0x400;
	v36 =	vld [tilespmem:s2+$0x4860];
	[tilespmem:s2+$0x8810] =	vst v63  }
.LBB2_4:
0xbe: {  	p1 =	sne.s32 s4, $0xFE00;
	v37 =	vld [tilespmem:s3+$0x4870];
	[tilespmem:s2+$0x8820] =	vst v34  }
0xbf: {  	v38 =	vld [tilespmem:s3+$0x4800];
	[tilespmem:s2+$0x8830] =	vst v32  }
0xc0: {  	v39 =	vld [tilespmem:s3+$0x4810];
	[tilespmem:s2+$0x8840] =	vst v33  }
.Ltmp1:
0xc1: {  	v34 =	vld [tilespmem:s3+$0x4820];
	[tilespmem:s2+$0x8850] =	vst v35;
	(pc) =	sbr.rel @p1 .LBB2_4-.Ltmp1, $4  }
0xc2: {  	v32 =	vld [tilespmem:s3+$0x4830];
	[tilespmem:s2+$0x8860] =	vst v36;
	s2 =	smov.u32 s3  }
0xc3: {  	v33 =	vld [tilespmem:s2+$0x4840];
	[tilespmem:s2+$0x8870] =	vst v37  }
0xc4: {  	[tilespmem:s2+$0x8800] =	vst v38;
	v35 =	vld [tilespmem:s2+$0x4850]  }
0xc5: {  	s3 =	sshra.s32 s4, $0x2;
	s4 =	sadd.s32 $0x200, s4;
	[tilespmem:s2+$0x8810] =	vst v39;
	v36 =	vld [tilespmem:s2+$0x4860]  }
0xc6: {  	v37 =	vld [tilespmem:s3+$0x4870];
	[tilespmem:s2+$0x8820] =	vst v34  }
0xc7: {  	v34 =	vld [tilespmem:s3+$0x4800];
	[tilespmem:s2+$0x8830] =	vst v32  }
0xc8: {  	v32 =	vld [tilespmem:s3+$0x4810];
	[tilespmem:s2+$0x8840] =	vst v33  }
0xc9: {  	v33 =	vld [tilespmem:s3+$0x4820];
	[tilespmem:s2+$0x8850] =	vst v35  }
0xca: {  	v35 =	vld [tilespmem:s3+$0x4830];
	[tilespmem:s2+$0x8860] =	vst v36  }
0xcb: {  	v36 =	vld [tilespmem:s3+$0x4840];
	[tilespmem:s3+$0x8870] =	vst v37  }
0xcc: {  	v62 =	vld [tilespmem:s3+$0x4850];
	[tilespmem:s3+$0x8800] =	vst v34  }
0xcd: {  	v63 =	vld [tilespmem:s3+$0x4860];
	[tilespmem:s3+$0x8810] =	vst v32  }
0xce: {  	[tilespmem:s3+$0x8820] =	vst v33  }
0xcf: {  	[tilespmem:s3+$0x8830] =	vst v35  }
0xd0: {  	[tilespmem:s3+$0x8840] =	vst v36  }
0xd1: {  	[tilespmem:s3+$0x8850] =	vst v62  }
0xd2: {  	[tilespmem:s3+$0x8860] =	vst v63  }
0xd3: {  	_ =	swait.ge [sflag:s28], $0x4000  }
0xd4: {  	[sflag:s28] =	ssyncset.done $0x0  }
0xd5: {  	[sflag:s28] =	ssyncadd.s32 $0xFFFFC000  }
0xd6: {  	_ =	swait.ge [sflag:s28], $0x4000  }
0xd7: {  	[sflag:s28] =	ssyncset.done $0x0  }
0xd8: {  	[sflag:s28] =	ssyncadd.s32 $0xFFFFC000  }
0xd9: {  	_ =	swait.ge [sflag:s28], $0x4000  }
0xda: {  	[sflag:s28] =	ssyncset.done $0x0  }
0xdb: {  	s10 =	simm.s32 $0x8800;
	[sflag:s28] =	ssyncadd.s32 $0xFFFFC000  }
0xdc: {  	[hbm4b:s12+s29] =	stream.strided.scatter [tilespmem:s10], [sflag:$0x4], $0x4000, s30, s29, $0x38;
	[tilespmem:$0x188A8] =	vst v63  }
0xdd: {  	_ = 	snop  }
0xde: {  	[hbm4b:s14+s29] =	stream.strided.scatter [tilespmem:s23], [sflag:$0x4], $0x4000, s30, s29, $0x38;
	[tilespmem:$0x188A8] =	vst v63  }
0xdf: {  	_ = 	snop  }
0xe0: {  	[hbm4b:s15+s29] =	stream.strided.scatter [tilespmem:s24], [sflag:$0x4], $0x4000, s30, s29, $0x38;
	[tilespmem:$0x188A8] =	vst v63  }
0xe1: {  	_ = 	snop  }
0xe2: {  	[hbm4b:s16+s29] =	stream.strided.scatter [tilespmem:s25], [sflag:$0x4], $0x4000, s30, s29, $0x38;
	[tilespmem:$0x188A8] =	vst v63  }
0xe3: {  	_ =	swait.ge [sflag:s1], $0x4000  }
0xe4: {  	[sflag:s1] =	ssyncset.done $0x0  }
0xe5: {  	[sflag:s1] =	ssyncadd.s32 $0xFFFFC000  }
0xe6: {  	_ =	swait.ge [sflag:s1], $0x4000  }
0xe7: {  	[sflag:s1] =	ssyncset.done $0x0  }
0xe8: {  	s31 =	sadd.s32 $0x1, s31;
	[sflag:s1] =	ssyncadd.s32 $0xFFFFC000  }
0xe9: {  	p1 =	sne.s32 s31, s17;
	_ =	swait.ge [sflag:s1], $0x4000  }
.Ltmp2:
0xea: {  	[sflag:s1] =	ssyncset.done $0x0;
	(pc) =	sbr.rel @p1 .LBB2_1-.Ltmp2, $4  }
0xeb: {  	[sflag:s1] =	ssyncadd.s32 $0xFFFFC000  }
0xec: {  	_ =	swait.ge [sflag:s1], $0x4000  }
0xed: {  	[sflag:s1] =	ssyncset.done $0x0  }
0xee: {  	[sflag:s1] =	ssyncadd.s32 $0xFFFFC000  }
0xef: {  	_ =	sfence.sel $0x180000  }
0xf0: {  	[bflag:$0x0] =	sbarrier.arrive $0xFFFF  }
0xf1: {  	_ =	strace $0x90000047  }
0xf2: {  	[bflag:$0x2] =	sbarrier.arrive $0xFFFF  }
0xf3: {  	s0 =	rddreg [dreg:$0xa]  }
0xf4: {  	s0 =	sadd.s32 @!p0 $0x100000, s0  }
0xf5: {  	[sflag:s0] =	ssyncadd.tile.s32 @!p0 $0x1;
	_ =	shalt  }
.Lfunc_end2:
_tile_overlayer_lowered:
.L_overlay_start_2:
0xf6: {  	(tag) =	ssettag $0x2  }
0xf7: {  	s0 =	rddreg [dreg:$0x0];
	s2 =	stileid.u32  }
0xf8: {  	s1 =	rddreg [dreg:$0x1];
	p0 =	sne.s32 s2, $0x0  }
0xf9: {  	s3 =	rddreg [dreg:$0x2];
	[bflag:$0x3] =	sbarrier.arrive $0xFFFF;
	s2 =	simm.s32 @!p0 $0x1C05  }
0xfa: {  	[timem:s3], [sflag:s2] =	dma.local @!p0 [hbm:s0], s1  }
0xfb: {  	s0 =	simm.s32 @!p0 $0x5  }
0xfc: {  	_ =	swait.ge @!p0 [sflag:s0], s1  }
0xfd: {  	s1 =	ssub.s32 @!p0 $0x0, s1;
	[sflag:s0] =	ssyncset.done @!p0 $0x0  }
0xfe: {  	[sflag:s0] =	ssyncadd.s32 @!p0 s1  }
0xff: {  	[bflag:$0x3] =	sbarrier.arrive $0xFFFF  }
0x100: {  	_ =	shalt  }

</sc_bundles>
